<compile_context>
chip_gen: v7x
topology: tpu7x:2x2x1
jax: 0.10.2.dev20260603
libtpu: 0.0.44.dev20260713+nightly
codegen_flags: <defaults>
</compile_context>

<pallas_src>
import functools

import numpy as np
import jax
import jax.numpy as jnp
from jax import lax
from jax.experimental import pallas as pl
from jax.experimental.pallas import tpu as pltpu
from jax.experimental.pallas import tpu_sc as plsc

_K = 20
_N = 131072
_PACK = 32
_W = _K * _PACK
_RP = _N // _PACK
_BLK = 1024

_CONST_CACHE = {}


def _exp_gumbel_np(n):
    i = np.arange(n, dtype=np.uint64)
    x0 = (i >> np.uint64(32)).astype(np.uint32)
    x1 = (i & np.uint64(0xFFFFFFFF)).astype(np.uint32)
    k0, k1 = np.uint32(0), np.uint32(1)
    ks = [k0, k1, np.uint32(k0 ^ k1 ^ np.uint32(0x1BD11BDA))]

    def rotl(x, d):
        return (x << np.uint32(d)) | (x >> np.uint32(32 - d))

    x0 = x0 + ks[0]
    x1 = x1 + ks[1]
    r1, r2 = (13, 15, 26, 6), (17, 29, 16, 24)
    for r in range(5):
        for rot in (r1 if r % 2 == 0 else r2):
            x0 = x0 + x1
            x1 = rotl(x1, rot)
            x1 = x1 ^ x0
        x0 = x0 + ks[(r + 1) % 3]
        x1 = x1 + ks[(r + 2) % 3] + np.uint32(r + 1)
    bits = x0 ^ x1
    fb = (bits >> np.uint32(9)) | np.uint32(0x3F800000)
    f = fb.view(np.float32) - np.float32(1.0)
    tiny = np.float32(np.finfo(np.float32).tiny)
    un = np.maximum(tiny, f * (np.float32(1.0) - tiny) + tiny)
    g = -np.log(-np.log(un), dtype=np.float32)
    return np.exp(g, dtype=np.float32)


def _consts():
    if not _CONST_CACHE:
        _CONST_CACHE["eg"] = _exp_gumbel_np(_N * _K).reshape(_RP, _W)
        l = np.arange(_W)
        seg = l // _K
        bmat = (seg[None, :] == np.arange(_PACK)[:, None]).astype(np.float32)
        _CONST_CACHE["bmat"] = bmat
        _CONST_CACHE["amat"] = bmat.T.copy()
        pick = (l[:, None] == (np.arange(_PACK) * _K)[None, :]).astype(np.float32)
        _CONST_CACHE["pmat"] = pick
    return _CONST_CACHE


_consts()


def _dot(a, b):
    return jax.lax.dot(a, b, precision=jax.lax.Precision.HIGHEST,
                       preferred_element_type=jnp.float32)


def _tc_kernel(xt_ref, al_ref, c0_ref, eg_ref, b_ref, a_ref, p_ref,
               post_ref, xn_ref):
    K = _K
    lane = jax.lax.broadcasted_iota(jnp.int32, (1, _W), 1)
    pos = lane - (lane // K) * K
    pos_f = pos.astype(jnp.float32)

    bmat = b_ref[...]
    x_b = _dot(xt_ref[...], bmat)
    a_b = _dot(al_ref[...], bmat)

    u = (1.0 - a_b) * (1.0 / K)
    f1 = jnp.where(x_b == pos_f, a_b + u, u)
    f2 = a_b * c0_ref[...] + u
    theta = f1 * f2

    s_rows = _dot(theta, a_ref[...])
    r_rows = 1.0 / (s_rows + 1e-8)
    r_b = _dot(r_rows, bmat)
    post = theta * r_b
    post_ref[...] = post

    scores = (post + 1e-12) * eg_ref[...]
    val = scores
    idx = jnp.broadcast_to(pos_f, scores.shape)
    for d in (1, 2, 4, 8, 16):
        sval = jnp.roll(val, -d, axis=1)
        sidx = jnp.roll(idx, -d, axis=1)
        ok = (pos + d) < K
        cond = jnp.logical_and(ok, sval > val)
        val = jnp.where(cond, sval, val)
        idx = jnp.where(cond, sidx, idx)
    xn = _dot(idx, p_ref[...])
    xn_ref[...] = xn.astype(jnp.int32)


_SC_WORKERS = 32
_SC_ROWS = _N // 128
_SC_RPW = _SC_ROWS // _SC_WORKERS


def _sc_alpha_body(t_hbm, ab_hbm, out_hbm, t_v, out_v, ab_s, sem):
    cid = lax.axis_index("c")
    sid = lax.axis_index("s")
    wid = sid * 2 + cid
    base = wid * _SC_RPW
    @pl.when(sid == 0)
    def _():
        pltpu.sync_copy(ab_hbm, ab_s)
    plsc.subcore_barrier()
    pltpu.sync_copy(t_hbm.at[pl.ds(base, _SC_RPW)], t_v)
    for j in range(_SC_RPW):
        pltpu.async_copy(ab_s.at[t_v.at[j]], out_v.at[j], sem)
    for j in range(_SC_RPW):
        pltpu.make_async_copy(ab_s.at[t_v.at[j]], out_v.at[j], sem).wait()
    pltpu.sync_copy(out_v, out_hbm.at[pl.ds(base, _SC_RPW)])


def _alpha_gather(t, alpha_bars):
    fn = functools.partial(
        pl.kernel,
        out_type=jax.ShapeDtypeStruct((_SC_ROWS, 128), jnp.float32),
        mesh=plsc.VectorSubcoreMesh(core_axis_name="c", subcore_axis_name="s"),
        scratch_types=[
            pltpu.VMEM((_SC_RPW, 128), jnp.int32),
            pltpu.VMEM((_SC_RPW, 128), jnp.float32),
            pltpu.VMEM_SHARED((128,), jnp.float32),
            pltpu.SemaphoreType.DMA,
        ],
    )(_sc_alpha_body)
    ab_pad = jnp.zeros((128,), jnp.float32).at[: alpha_bars.shape[0]].set(alpha_bars)
    return fn(t.astype(jnp.int32).reshape(_SC_ROWS, 128), ab_pad)


@jax.jit
def kernel(x_t, c_0_pred, mask_generate, t, alpha_bars):
    del mask_generate
    c = _consts()
    xtf = x_t.astype(jnp.float32).reshape(_RP, _PACK)
    c0p = c_0_pred.reshape(_RP, _W)
    alpha = _alpha_gather(t, alpha_bars)
    alf = alpha.reshape(_RP, _PACK)
    egp = jnp.asarray(c["eg"])
    bmat = jnp.asarray(c["bmat"])
    amat = jnp.asarray(c["amat"])
    pmat = jnp.asarray(c["pmat"])

    grid = (_RP // _BLK,)
    post, xn = pl.pallas_call(
        _tc_kernel,
        grid=grid,
        in_specs=[
            pl.BlockSpec((_BLK, _PACK), lambda i: (i, 0)),
            pl.BlockSpec((_BLK, _PACK), lambda i: (i, 0)),
            pl.BlockSpec((_BLK, _W), lambda i: (i, 0)),
            pl.BlockSpec((_BLK, _W), lambda i: (i, 0)),
            pl.BlockSpec((_PACK, _W), lambda i: (0, 0)),
            pl.BlockSpec((_W, _PACK), lambda i: (0, 0)),
            pl.BlockSpec((_W, _PACK), lambda i: (0, 0)),
        ],
        out_specs=[
            pl.BlockSpec((_BLK, _W), lambda i: (i, 0)),
            pl.BlockSpec((_BLK, _PACK), lambda i: (i, 0)),
        ],
        out_shape=[
            jax.ShapeDtypeStruct((_RP, _W), jnp.float32),
            jax.ShapeDtypeStruct((_RP, _PACK), jnp.int32),
        ],
    )(xtf, alf, c0p, egp, bmat, amat, pmat)
    return (post.reshape(_N, _K), xn.reshape(_N, 1))

# --- scband reference (transcript-rebuilt; emitter-appended) ---
"""Pipeline reference for scband-aminoacid-categorical-transition-9594956939642 (READ-ONLY COPY).

The authoritative reference and input builder live on the scoring server;
editing this copy changes nothing except your own understanding.
"""

import jax, jax.numpy as jnp
import numpy as np

NUM_STEPS = 100
NUM_CLASSES = 20
N = 131072


def _variance_schedule_alpha_bars(num_steps=100, s=0.01):
    t = np.arange(0, num_steps + 1, dtype=np.float64)
    f_t = np.cos(np.pi / 2 * (t / num_steps + s) / (1 + s)) ** 2
    alpha_bars = f_t / f_t[0]
    return jnp.asarray(alpha_bars, dtype=jnp.float32)


def clampped_one_hot(x, num_classes):
    mask = (x >= 0) & (x < num_classes)
    xc = jnp.clip(x, 0, num_classes - 1)
    y = jax.nn.one_hot(xc, num_classes, dtype=jnp.float32) * mask[..., None].astype(jnp.float32)
    return y


def setup_inputs(seed: int = 0) -> dict:
    key = jax.random.key(seed)
    k1, k2, k3 = jax.random.split(key, 3)
    x_t = jax.random.randint(k1, (N,), 0, NUM_CLASSES)
    c_0_pred = jax.random.uniform(k2, (N, NUM_CLASSES), dtype=jnp.float32)
    c_0_pred = c_0_pred / c_0_pred.sum(axis=-1, keepdims=True)
    mask_generate = jnp.ones((N,), dtype=bool)
    t = jax.random.randint(k3, (N,), 0, NUM_STEPS + 1)
    alpha_bars = _variance_schedule_alpha_bars(NUM_STEPS, 0.01)
    return {"x_t": x_t, "c_0_pred": c_0_pred, "mask_generate": mask_generate, "t": t, "alpha_bars": alpha_bars}


def reference(x_t, c_0_pred, mask_generate, t, alpha_bars):
    K = NUM_CLASSES
    # denoise(x_t, c_0_pred, mask_generate, t)
    c_t = clampped_one_hot(x_t, K)
    # posterior(c_t, c_0_pred, t) -- note original uses alpha_bars[t] for both factors
    alpha = alpha_bars[t][:, None]
    alpha_bar = alpha_bars[t][:, None]
    theta = (alpha * c_t + (1 - alpha) / K) * (alpha_bar * c_0_pred + (1 - alpha_bar) / K)
    theta = theta / (theta.sum(axis=-1, keepdims=True) + 1e-08)
    post = jnp.where(mask_generate[:, None], theta, c_t)
    # _sample(post): multinomial(post, 1) -> categorical sample, shape (N, 1)
    skey = jax.random.key(1)
    x_next = jax.random.categorical(skey, jnp.log(post + 1e-12), axis=-1)[:, None]
    return (post, x_next)

if __name__ == "__main__":
    import jax
    _d = setup_inputs()
    print(jax.jit(kernel)(*tuple(_d.values())))

</pallas_src>

<mosaic_0001>
#map = affine_map<(d0, d1) -> (0, 0)>
#map1 = affine_map<(d0, d1) -> (0)>
module attributes {stable_mosaic.version = 14 : i64} {
  func.func @_sc_alpha_body(%arg0: i32, %arg1: i32, %arg2: memref<1024x128xi32, #tpu.memory_space<hbm>>, %arg3: memref<128xf32, #tpu.memory_space<hbm>>, %arg4: memref<1024x128xf32, #tpu.memory_space<hbm>>, %arg5: memref<32x128xi32, #tpu.memory_space<vmem>>, %arg6: memref<32x128xf32, #tpu.memory_space<vmem>>, %arg7: memref<128xf32, #tpu.memory_space<vmem_shared>>, %arg8: memref<!tpu.dma_semaphore, #tpu.memory_space<semaphore_mem>>) attributes {dimension_semantics = [#tpu.dimension_semantics<core_parallel>, #tpu.dimension_semantics<subcore_parallel>], iteration_bounds = array<i64: 2, 16>, scalar_prefetch = 0 : i64, scratch_operands = 4 : i64, tpu.core_type = #tpu.core_type<sc_vector_subcore>, window_params = [{transform_indices = #map}, {transform_indices = #map1}, {transform_indices = #map}]} {
    %mul3A = arith.constant 2 : i32
    %mul3A_0 = arith.muli %arg1, %mul3A : i32
    %add3A = arith.addi %mul3A_0, %arg0 : i32
    %mul3A_1 = arith.constant 32 : i32
    %mul3A_2 = arith.muli %add3A, %mul3A_1 : i32
    %eq3A = arith.constant 0 : i32
    %eq3A_3 = arith.cmpi eq, %arg1, %eq3A : i32
    %convert_element_type3A = arith.extui %eq3A_3 : i1 to i32
    %cond3A = arith.constant 0 : i32
    %cond3A_4 = arith.cmpi ne, %convert_element_type3A, %cond3A : i32
    scf.if %cond3A_4 {
      "tpu.region"() ({
        %run_scoped3A = tpu.sem_alloc : memref<!tpu.dma_semaphore, #tpu.memory_space<semaphore_mem>>
        tpu.enqueue_dma source(%arg3 : memref<128xf32, #tpu.memory_space<hbm>>) target(%arg7 : memref<128xf32, #tpu.memory_space<vmem_shared>>) target_semaphore(%run_scoped3A : memref<!tpu.dma_semaphore, #tpu.memory_space<semaphore_mem>>)
        tpu.wait_dma2 semaphore(%run_scoped3A : memref<!tpu.dma_semaphore, #tpu.memory_space<semaphore_mem>>) src(%arg3 : memref<128xf32, #tpu.memory_space<hbm>>) dst(%arg7 : memref<128xf32, #tpu.memory_space<vmem_shared>>)
        tpu.yield
      }) : () -> ()
    } else {
    }
    %barrier3A = arith.constant 0 : index
    tpu.barrier barrier_id(%barrier3A)
    "tpu.region"() ({
      %run_scoped3A = tpu.sem_alloc : memref<!tpu.dma_semaphore, #tpu.memory_space<semaphore_mem>>
      %dma_start3A_643 = arith.constant 0 : i32
      %dma_start3A_644 = tpu.memref_slice %arg2[%mul3A_2, %dma_start3A_643] : memref<1024x128xi32, #tpu.memory_space<hbm>> -> memref<32x128xi32, #tpu.memory_space<hbm>>
      %dma_start3A_645 = arith.constant 0 : i32
      %dma_start3A_646 = tpu.memref_slice %arg2[%mul3A_2, %dma_start3A_645] : memref<1024x128xi32, #tpu.memory_space<hbm>> -> memref<32x128xi32, #tpu.memory_space<hbm>>
      tpu.enqueue_dma source(%dma_start3A_646 : memref<32x128xi32, #tpu.memory_space<hbm>>) target(%arg5 : memref<32x128xi32, #tpu.memory_space<vmem>>) target_semaphore(%run_scoped3A : memref<!tpu.dma_semaphore, #tpu.memory_space<semaphore_mem>>)
      %dma_wait3A_647 = arith.constant 0 : i32
      %dma_wait3A_648 = tpu.memref_slice %arg2[%mul3A_2, %dma_wait3A_647] : memref<1024x128xi32, #tpu.memory_space<hbm>> -> memref<32x128xi32, #tpu.memory_space<hbm>>
      %dma_wait3A_649 = arith.constant 0 : i32
      %dma_wait3A_650 = tpu.memref_slice %arg2[%mul3A_2, %dma_wait3A_649] : memref<1024x128xi32, #tpu.memory_space<hbm>> -> memref<32x128xi32, #tpu.memory_space<hbm>>
      tpu.wait_dma2 semaphore(%run_scoped3A : memref<!tpu.dma_semaphore, #tpu.memory_space<semaphore_mem>>) src(%dma_wait3A_650 : memref<32x128xi32, #tpu.memory_space<hbm>>) dst(%arg5 : memref<32x128xi32, #tpu.memory_space<vmem>>)
      tpu.yield
    }) : () -> ()
    %dma_start3A = arith.constant 0 : i32
    %dma_start3A_5 = arith.constant 0 : i32
    %dma_start3A_6 = arith.constant 0 : i32
    %dma_start3A_7 = tpu.memref_slice %arg6[%dma_start3A_5, %dma_start3A_6] : memref<32x128xf32, #tpu.memory_space<vmem>> -> memref<1x128xf32, #tpu.memory_space<vmem>>
    %dma_start3A_8 = tpu.memref_squeeze %dma_start3A_7 : memref<1x128xf32, #tpu.memory_space<vmem>> -> memref<128xf32, #tpu.memory_space<vmem>>
    %dma_start3A_9 = arith.constant 0 : i32
    %dma_start3A_10 = tpu.memref_slice %arg5[%dma_start3A, %dma_start3A_9] : memref<32x128xi32, #tpu.memory_space<vmem>> -> memref<1x128xi32, #tpu.memory_space<vmem>>
    %dma_start3A_11 = tpu.memref_squeeze %dma_start3A_10 : memref<1x128xi32, #tpu.memory_space<vmem>> -> memref<128xi32, #tpu.memory_space<vmem>>
    %dma_start3A_12 = arith.constant 0 : i32
    %dma_start3A_13 = tpu.memref_slice %arg7[%dma_start3A_12] : memref<128xf32, #tpu.memory_space<vmem_shared>> -> memref<128xf32, #tpu.memory_space<vmem_shared>>
    tpu.enqueue_indirect_dma source(%dma_start3A_13 : memref<128xf32, #tpu.memory_space<vmem_shared>>) target(%dma_start3A_8 : memref<128xf32, #tpu.memory_space<vmem>>) offsets(%dma_start3A_11 : memref<128xi32, #tpu.memory_space<vmem>>) semaphore(%arg8 : memref<!tpu.dma_semaphore, #tpu.memory_space<semaphore_mem>>)
    %dma_start3A_14 = arith.constant 1 : i32
    %dma_start3A_15 = arith.constant 1 : i32
    %dma_start3A_16 = arith.constant 0 : i32
    %dma_start3A_17 = tpu.memref_slice %arg6[%dma_start3A_15, %dma_start3A_16] : memref<32x128xf32, #tpu.memory_space<vmem>> -> memref<1x128xf32, #tpu.memory_space<vmem>>
    %dma_start3A_18 = tpu.memref_squeeze %dma_start3A_17 : memref<1x128xf32, #tpu.memory_space<vmem>> -> memref<128xf32, #tpu.memory_space<vmem>>
    %dma_start3A_19 = arith.constant 0 : i32
    %dma_start3A_20 = tpu.memref_slice %arg5[%dma_start3A_14, %dma_start3A_19] : memref<32x128xi32, #tpu.memory_space<vmem>> -> memref<1x128xi32, #tpu.memory_space<vmem>>
    %dma_start3A_21 = tpu.memref_squeeze %dma_start3A_20 : memref<1x128xi32, #tpu.memory_space<vmem>> -> memref<128xi32, #tpu.memory_space<vmem>>
    %dma_start3A_22 = arith.constant 0 : i32
    %dma_start3A_23 = tpu.memref_slice %arg7[%dma_start3A_22] : memref<128xf32, #tpu.memory_space<vmem_shared>> -> memref<128xf32, #tpu.memory_space<vmem_shared>>
    tpu.enqueue_indirect_dma source(%dma_start3A_23 : memref<128xf32, #tpu.memory_space<vmem_shared>>) target(%dma_start3A_18 : memref<128xf32, #tpu.memory_space<vmem>>) offsets(%dma_start3A_21 : memref<128xi32, #tpu.memory_space<vmem>>) semaphore(%arg8 : memref<!tpu.dma_semaphore, #tpu.memory_space<semaphore_mem>>)
    %dma_start3A_24 = arith.constant 2 : i32
    %dma_start3A_25 = arith.constant 2 : i32
    %dma_start3A_26 = arith.constant 0 : i32
    %dma_start3A_27 = tpu.memref_slice %arg6[%dma_start3A_25, %dma_start3A_26] : memref<32x128xf32, #tpu.memory_space<vmem>> -> memref<1x128xf32, #tpu.memory_space<vmem>>
    %dma_start3A_28 = tpu.memref_squeeze %dma_start3A_27 : memref<1x128xf32, #tpu.memory_space<vmem>> -> memref<128xf32, #tpu.memory_space<vmem>>
    %dma_start3A_29 = arith.constant 0 : i32
    %dma_start3A_30 = tpu.memref_slice %arg5[%dma_start3A_24, %dma_start3A_29] : memref<32x128xi32, #tpu.memory_space<vmem>> -> memref<1x128xi32, #tpu.memory_space<vmem>>
    %dma_start3A_31 = tpu.memref_squeeze %dma_start3A_30 : memref<1x128xi32, #tpu.memory_space<vmem>> -> memref<128xi32, #tpu.memory_space<vmem>>
    %dma_start3A_32 = arith.constant 0 : i32
    %dma_start3A_33 = tpu.memref_slice %arg7[%dma_start3A_32] : memref<128xf32, #tpu.memory_space<vmem_shared>> -> memref<128xf32, #tpu.memory_space<vmem_shared>>
    tpu.enqueue_indirect_dma source(%dma_start3A_33 : memref<128xf32, #tpu.memory_space<vmem_shared>>) target(%dma_start3A_28 : memref<128xf32, #tpu.memory_space<vmem>>) offsets(%dma_start3A_31 : memref<128xi32, #tpu.memory_space<vmem>>) semaphore(%arg8 : memref<!tpu.dma_semaphore, #tpu.memory_space<semaphore_mem>>)
    %dma_start3A_34 = arith.constant 3 : i32
    %dma_start3A_35 = arith.constant 3 : i32
    %dma_start3A_36 = arith.constant 0 : i32
    %dma_start3A_37 = tpu.memref_slice %arg6[%dma_start3A_35, %dma_start3A_36] : memref<32x128xf32, #tpu.memory_space<vmem>> -> memref<1x128xf32, #tpu.memory_space<vmem>>
    %dma_start3A_38 = tpu.memref_squeeze %dma_start3A_37 : memref<1x128xf32, #tpu.memory_space<vmem>> -> memref<128xf32, #tpu.memory_space<vmem>>
    %dma_start3A_39 = arith.constant 0 : i32
    %dma_start3A_40 = tpu.memref_slice %arg5[%dma_start3A_34, %dma_start3A_39] : memref<32x128xi32, #tpu.memory_space<vmem>> -> memref<1x128xi32, #tpu.memory_space<vmem>>
    %dma_start3A_41 = tpu.memref_squeeze %dma_start3A_40 : memref<1x128xi32, #tpu.memory_space<vmem>> -> memref<128xi32, #tpu.memory_space<vmem>>
    %dma_start3A_42 = arith.constant 0 : i32
    %dma_start3A_43 = tpu.memref_slice %arg7[%dma_start3A_42] : memref<128xf32, #tpu.memory_space<vmem_shared>> -> memref<128xf32, #tpu.memory_space<vmem_shared>>
    tpu.enqueue_indirect_dma source(%dma_start3A_43 : memref<128xf32, #tpu.memory_space<vmem_shared>>) target(%dma_start3A_38 : memref<128xf32, #tpu.memory_space<vmem>>) offsets(%dma_start3A_41 : memref<128xi32, #tpu.memory_space<vmem>>) semaphore(%arg8 : memref<!tpu.dma_semaphore, #tpu.memory_space<semaphore_mem>>)
    %dma_start3A_44 = arith.constant 4 : i32
    %dma_start3A_45 = arith.constant 4 : i32
    %dma_start3A_46 = arith.constant 0 : i32
    %dma_start3A_47 = tpu.memref_slice %arg6[%dma_start3A_45, %dma_start3A_46] : memref<32x128xf32, #tpu.memory_space<vmem>> -> memref<1x128xf32, #tpu.memory_space<vmem>>
    %dma_start3A_48 = tpu.memref_squeeze %dma_start3A_47 : memref<1x128xf32, #tpu.memory_space<vmem>> -> memref<128xf32, #tpu.memory_space<vmem>>
    %dma_start3A_49 = arith.constant 0 : i32
    %dma_start3A_50 = tpu.memref_slice %arg5[%dma_start3A_44, %dma_start3A_49] : memref<32x128xi32, #tpu.memory_space<vmem>> -> memref<1x128xi32, #tpu.memory_space<vmem>>
    %dma_start3A_51 = tpu.memref_squeeze %dma_start3A_50 : memref<1x128xi32, #tpu.memory_space<vmem>> -> memref<128xi32, #tpu.memory_space<vmem>>
    %dma_start3A_52 = arith.constant 0 : i32
    %dma_start3A_53 = tpu.memref_slice %arg7[%dma_start3A_52] : memref<128xf32, #tpu.memory_space<vmem_shared>> -> memref<128xf32, #tpu.memory_space<vmem_shared>>
    tpu.enqueue_indirect_dma source(%dma_start3A_53 : memref<128xf32, #tpu.memory_space<vmem_shared>>) target(%dma_start3A_48 : memref<128xf32, #tpu.memory_space<vmem>>) offsets(%dma_start3A_51 : memref<128xi32, #tpu.memory_space<vmem>>) semaphore(%arg8 : memref<!tpu.dma_semaphore, #tpu.memory_space<semaphore_mem>>)
    %dma_start3A_54 = arith.constant 5 : i32
    %dma_start3A_55 = arith.constant 5 : i32
    %dma_start3A_56 = arith.constant 0 : i32
    %dma_start3A_57 = tpu.memref_slice %arg6[%dma_start3A_55, %dma_start3A_56] : memref<32x128xf32, #tpu.memory_space<vmem>> -> memref<1x128xf32, #tpu.memory_space<vmem>>
    %dma_start3A_58 = tpu.memref_squeeze %dma_start3A_57 : memref<1x128xf32, #tpu.memory_space<vmem>> -> memref<128xf32, #tpu.memory_space<vmem>>
    %dma_start3A_59 = arith.constant 0 : i32
    %dma_start3A_60 = tpu.memref_slice %arg5[%dma_start3A_54, %dma_start3A_59] : memref<32x128xi32, #tpu.memory_space<vmem>> -> memref<1x128xi32, #tpu.memory_space<vmem>>
    %dma_start3A_61 = tpu.memref_squeeze %dma_start3A_60 : memref<1x128xi32, #tpu.memory_space<vmem>> -> memref<128xi32, #tpu.memory_space<vmem>>
    %dma_start3A_62 = arith.constant 0 : i32
    %dma_start3A_63 = tpu.memref_slice %arg7[%dma_start3A_62] : memref<128xf32, #tpu.memory_space<vmem_shared>> -> memref<128xf32, #tpu.memory_space<vmem_shared>>
    tpu.enqueue_indirect_dma source(%dma_start3A_63 : memref<128xf32, #tpu.memory_space<vmem_shared>>) target(%dma_start3A_58 : memref<128xf32, #tpu.memory_space<vmem>>) offsets(%dma_start3A_61 : memref<128xi32, #tpu.memory_space<vmem>>) semaphore(%arg8 : memref<!tpu.dma_semaphore, #tpu.memory_space<semaphore_mem>>)
    %dma_start3A_64 = arith.constant 6 : i32
    %dma_start3A_65 = arith.constant 6 : i32
    %dma_start3A_66 = arith.constant 0 : i32
    %dma_start3A_67 = tpu.memref_slice %arg6[%dma_start3A_65, %dma_start3A_66] : memref<32x128xf32, #tpu.memory_space<vmem>> -> memref<1x128xf32, #tpu.memory_space<vmem>>
    %dma_start3A_68 = tpu.memref_squeeze %dma_start3A_67 : memref<1x128xf32, #tpu.memory_space<vmem>> -> memref<128xf32, #tpu.memory_space<vmem>>
    %dma_start3A_69 = arith.constant 0 : i32
    %dma_start3A_70 = tpu.memref_slice %arg5[%dma_start3A_64, %dma_start3A_69] : memref<32x128xi32, #tpu.memory_space<vmem>> -> memref<1x128xi32, #tpu.memory_space<vmem>>
    %dma_start3A_71 = tpu.memref_squeeze %dma_start3A_70 : memref<1x128xi32, #tpu.memory_space<vmem>> -> memref<128xi32, #tpu.memory_space<vmem>>
    %dma_start3A_72 = arith.constant 0 : i32
    %dma_start3A_73 = tpu.memref_slice %arg7[%dma_start3A_72] : memref<128xf32, #tpu.memory_space<vmem_shared>> -> memref<128xf32, #tpu.memory_space<vmem_shared>>
    tpu.enqueue_indirect_dma source(%dma_start3A_73 : memref<128xf32, #tpu.memory_space<vmem_shared>>) target(%dma_start3A_68 : memref<128xf32, #tpu.memory_space<vmem>>) offsets(%dma_start3A_71 : memref<128xi32, #tpu.memory_space<vmem>>) semaphore(%arg8 : memref<!tpu.dma_semaphore, #tpu.memory_space<semaphore_mem>>)
    %dma_start3A_74 = arith.constant 7 : i32
    %dma_start3A_75 = arith.constant 7 : i32
    %dma_start3A_76 = arith.constant 0 : i32
    %dma_start3A_77 = tpu.memref_slice %arg6[%dma_start3A_75, %dma_start3A_76] : memref<32x128xf32, #tpu.memory_space<vmem>> -> memref<1x128xf32, #tpu.memory_space<vmem>>
    %dma_start3A_78 = tpu.memref_squeeze %dma_start3A_77 : memref<1x128xf32, #tpu.memory_space<vmem>> -> memref<128xf32, #tpu.memory_space<vmem>>
    %dma_start3A_79 = arith.constant 0 : i32
    %dma_start3A_80 = tpu.memref_slice %arg5[%dma_start3A_74, %dma_start3A_79] : memref<32x128xi32, #tpu.memory_space<vmem>> -> memref<1x128xi32, #tpu.memory_space<vmem>>
    %dma_start3A_81 = tpu.memref_squeeze %dma_start3A_80 : memref<1x128xi32, #tpu.memory_space<vmem>> -> memref<128xi32, #tpu.memory_space<vmem>>
    %dma_start3A_82 = arith.constant 0 : i32
    %dma_start3A_83 = tpu.memref_slice %arg7[%dma_start3A_82] : memref<128xf32, #tpu.memory_space<vmem_shared>> -> memref<128xf32, #tpu.memory_space<vmem_shared>>
    tpu.enqueue_indirect_dma source(%dma_start3A_83 : memref<128xf32, #tpu.memory_space<vmem_shared>>) target(%dma_start3A_78 : memref<128xf32, #tpu.memory_space<vmem>>) offsets(%dma_start3A_81 : memref<128xi32, #tpu.memory_space<vmem>>) semaphore(%arg8 : memref<!tpu.dma_semaphore, #tpu.memory_space<semaphore_mem>>)
    %dma_start3A_84 = arith.constant 8 : i32
    %dma_start3A_85 = arith.constant 8 : i32
    %dma_start3A_86 = arith.constant 0 : i32
    %dma_start3A_87 = tpu.memref_slice %arg6[%dma_start3A_85, %dma_start3A_86] : memref<32x128xf32, #tpu.memory_space<vmem>> -> memref<1x128xf32, #tpu.memory_space<vmem>>
    %dma_start3A_88 = tpu.memref_squeeze %dma_start3A_87 : memref<1x128xf32, #tpu.memory_space<vmem>> -> memref<128xf32, #tpu.memory_space<vmem>>
    %dma_start3A_89 = arith.constant 0 : i32
    %dma_start3A_90 = tpu.memref_slice %arg5[%dma_start3A_84, %dma_start3A_89] : memref<32x128xi32, #tpu.memory_space<vmem>> -> memref<1x128xi32, #tpu.memory_space<vmem>>
    %dma_start3A_91 = tpu.memref_squeeze %dma_start3A_90 : memref<1x128xi32, #tpu.memory_space<vmem>> -> memref<128xi32, #tpu.memory_space<vmem>>
    %dma_start3A_92 = arith.constant 0 : i32
    %dma_start3A_93 = tpu.memref_slice %arg7[%dma_start3A_92] : memref<128xf32, #tpu.memory_space<vmem_shared>> -> memref<128xf32, #tpu.memory_space<vmem_shared>>
    tpu.enqueue_indirect_dma source(%dma_start3A_93 : memref<128xf32, #tpu.memory_space<vmem_shared>>) target(%dma_start3A_88 : memref<128xf32, #tpu.memory_space<vmem>>) offsets(%dma_start3A_91 : memref<128xi32, #tpu.memory_space<vmem>>) semaphore(%arg8 : memref<!tpu.dma_semaphore, #tpu.memory_space<semaphore_mem>>)
    %dma_start3A_94 = arith.constant 9 : i32
    %dma_start3A_95 = arith.constant 9 : i32
    %dma_start3A_96 = arith.constant 0 : i32
    %dma_start3A_97 = tpu.memref_slice %arg6[%dma_start3A_95, %dma_start3A_96] : memref<32x128xf32, #tpu.memory_space<vmem>> -> memref<1x128xf32, #tpu.memory_space<vmem>>
    %dma_start3A_98 = tpu.memref_squeeze %dma_start3A_97 : memref<1x128xf32, #tpu.memory_space<vmem>> -> memref<128xf32, #tpu.memory_space<vmem>>
    %dma_start3A_99 = arith.constant 0 : i32
    %dma_start3A_100 = tpu.memref_slice %arg5[%dma_start3A_94, %dma_start3A_99] : memref<32x128xi32, #tpu.memory_space<vmem>> -> memref<1x128xi32, #tpu.memory_space<vmem>>
    %dma_start3A_101 = tpu.memref_squeeze %dma_start3A_100 : memref<1x128xi32, #tpu.memory_space<vmem>> -> memref<128xi32, #tpu.memory_space<vmem>>
    %dma_start3A_102 = arith.constant 0 : i32
    %dma_start3A_103 = tpu.memref_slice %arg7[%dma_start3A_102] : memref<128xf32, #tpu.memory_space<vmem_shared>> -> memref<128xf32, #tpu.memory_space<vmem_shared>>
    tpu.enqueue_indirect_dma source(%dma_start3A_103 : memref<128xf32, #tpu.memory_space<vmem_shared>>) target(%dma_start3A_98 : memref<128xf32, #tpu.memory_space<vmem>>) offsets(%dma_start3A_101 : memref<128xi32, #tpu.memory_space<vmem>>) semaphore(%arg8 : memref<!tpu.dma_semaphore, #tpu.memory_space<semaphore_mem>>)
    %dma_start3A_104 = arith.constant 10 : i32
    %dma_start3A_105 = arith.constant 10 : i32
    %dma_start3A_106 = arith.constant 0 : i32
    %dma_start3A_107 = tpu.memref_slice %arg6[%dma_start3A_105, %dma_start3A_106] : memref<32x128xf32, #tpu.memory_space<vmem>> -> memref<1x128xf32, #tpu.memory_space<vmem>>
    %dma_start3A_108 = tpu.memref_squeeze %dma_start3A_107 : memref<1x128xf32, #tpu.memory_space<vmem>> -> memref<128xf32, #tpu.memory_space<vmem>>
    %dma_start3A_109 = arith.constant 0 : i32
    %dma_start3A_110 = tpu.memref_slice %arg5[%dma_start3A_104, %dma_start3A_109] : memref<32x128xi32, #tpu.memory_space<vmem>> -> memref<1x128xi32, #tpu.memory_space<vmem>>
    %dma_start3A_111 = tpu.memref_squeeze %dma_start3A_110 : memref<1x128xi32, #tpu.memory_space<vmem>> -> memref<128xi32, #tpu.memory_space<vmem>>
    %dma_start3A_112 = arith.constant 0 : i32
    %dma_start3A_113 = tpu.memref_slice %arg7[%dma_start3A_112] : memref<128xf32, #tpu.memory_space<vmem_shared>> -> memref<128xf32, #tpu.memory_space<vmem_shared>>
    tpu.enqueue_indirect_dma source(%dma_start3A_113 : memref<128xf32, #tpu.memory_space<vmem_shared>>) target(%dma_start3A_108 : memref<128xf32, #tpu.memory_space<vmem>>) offsets(%dma_start3A_111 : memref<128xi32, #tpu.memory_space<vmem>>) semaphore(%arg8 : memref<!tpu.dma_semaphore, #tpu.memory_space<semaphore_mem>>)
    %dma_start3A_114 = arith.constant 11 : i32
    %dma_start3A_115 = arith.constant 11 : i32
    %dma_start3A_116 = arith.constant 0 : i32
    %dma_start3A_117 = tpu.memref_slice %arg6[%dma_start3A_115, %dma_start3A_116] : memref<32x128xf32, #tpu.memory_space<vmem>> -> memref<1x128xf32, #tpu.memory_space<vmem>>
    %dma_start3A_118 = tpu.memref_squeeze %dma_start3A_117 : memref<1x128xf32, #tpu.memory_space<vmem>> -> memref<128xf32, #tpu.memory_space<vmem>>
    %dma_start3A_119 = arith.constant 0 : i32
    %dma_start3A_120 = tpu.memref_slice %arg5[%dma_start3A_114, %dma_start3A_119] : memref<32x128xi32, #tpu.memory_space<vmem>> -> memref<1x128xi32, #tpu.memory_space<vmem>>
    %dma_start3A_121 = tpu.memref_squeeze %dma_start3A_120 : memref<1x128xi32, #tpu.memory_space<vmem>> -> memref<128xi32, #tpu.memory_space<vmem>>
    %dma_start3A_122 = arith.constant 0 : i32
    %dma_start3A_123 = tpu.memref_slice %arg7[%dma_start3A_122] : memref<128xf32, #tpu.memory_space<vmem_shared>> -> memref<128xf32, #tpu.memory_space<vmem_shared>>
    tpu.enqueue_indirect_dma source(%dma_start3A_123 : memref<128xf32, #tpu.memory_space<vmem_shared>>) target(%dma_start3A_118 : memref<128xf32, #tpu.memory_space<vmem>>) offsets(%dma_start3A_121 : memref<128xi32, #tpu.memory_space<vmem>>) semaphore(%arg8 : memref<!tpu.dma_semaphore, #tpu.memory_space<semaphore_mem>>)
    %dma_start3A_124 = arith.constant 12 : i32
    %dma_start3A_125 = arith.constant 12 : i32
    %dma_start3A_126 = arith.constant 0 : i32
    %dma_start3A_127 = tpu.memref_slice %arg6[%dma_start3A_125, %dma_start3A_126] : memref<32x128xf32, #tpu.memory_space<vmem>> -> memref<1x128xf32, #tpu.memory_space<vmem>>
    %dma_start3A_128 = tpu.memref_squeeze %dma_start3A_127 : memref<1x128xf32, #tpu.memory_space<vmem>> -> memref<128xf32, #tpu.memory_space<vmem>>
    %dma_start3A_129 = arith.constant 0 : i32
    %dma_start3A_130 = tpu.memref_slice %arg5[%dma_start3A_124, %dma_start3A_129] : memref<32x128xi32, #tpu.memory_space<vmem>> -> memref<1x128xi32, #tpu.memory_space<vmem>>
    %dma_start3A_131 = tpu.memref_squeeze %dma_start3A_130 : memref<1x128xi32, #tpu.memory_space<vmem>> -> memref<128xi32, #tpu.memory_space<vmem>>
    %dma_start3A_132 = arith.constant 0 : i32
    %dma_start3A_133 = tpu.memref_slice %arg7[%dma_start3A_132] : memref<128xf32, #tpu.memory_space<vmem_shared>> -> memref<128xf32, #tpu.memory_space<vmem_shared>>
    tpu.enqueue_indirect_dma source(%dma_start3A_133 : memref<128xf32, #tpu.memory_space<vmem_shared>>) target(%dma_start3A_128 : memref<128xf32, #tpu.memory_space<vmem>>) offsets(%dma_start3A_131 : memref<128xi32, #tpu.memory_space<vmem>>) semaphore(%arg8 : memref<!tpu.dma_semaphore, #tpu.memory_space<semaphore_mem>>)
    %dma_start3A_134 = arith.constant 13 : i32
    %dma_start3A_135 = arith.constant 13 : i32
    %dma_start3A_136 = arith.constant 0 : i32
    %dma_start3A_137 = tpu.memref_slice %arg6[%dma_start3A_135, %dma_start3A_136] : memref<32x128xf32, #tpu.memory_space<vmem>> -> memref<1x128xf32, #tpu.memory_space<vmem>>
    %dma_start3A_138 = tpu.memref_squeeze %dma_start3A_137 : memref<1x128xf32, #tpu.memory_space<vmem>> -> memref<128xf32, #tpu.memory_space<vmem>>
    %dma_start3A_139 = arith.constant 0 : i32
    %dma_start3A_140 = tpu.memref_slice %arg5[%dma_start3A_134, %dma_start3A_139] : memref<32x128xi32, #tpu.memory_space<vmem>> -> memref<1x128xi32, #tpu.memory_space<vmem>>
    %dma_start3A_141 = tpu.memref_squeeze %dma_start3A_140 : memref<1x128xi32, #tpu.memory_space<vmem>> -> memref<128xi32, #tpu.memory_space<vmem>>
    %dma_start3A_142 = arith.constant 0 : i32
    %dma_start3A_143 = tpu.memref_slice %arg7[%dma_start3A_142] : memref<128xf32, #tpu.memory_space<vmem_shared>> -> memref<128xf32, #tpu.memory_space<vmem_shared>>
    tpu.enqueue_indirect_dma source(%dma_start3A_143 : memref<128xf32, #tpu.memory_space<vmem_shared>>) target(%dma_start3A_138 : memref<128xf32, #tpu.memory_space<vmem>>) offsets(%dma_start3A_141 : memref<128xi32, #tpu.memory_space<vmem>>) semaphore(%arg8 : memref<!tpu.dma_semaphore, #tpu.memory_space<semaphore_mem>>)
    %dma_start3A_144 = arith.constant 14 : i32
    %dma_start3A_145 = arith.constant 14 : i32
    %dma_start3A_146 = arith.constant 0 : i32
    %dma_start3A_147 = tpu.memref_slice %arg6[%dma_start3A_145, %dma_start3A_146] : memref<32x128xf32, #tpu.memory_space<vmem>> -> memref<1x128xf32, #tpu.memory_space<vmem>>
    %dma_start3A_148 = tpu.memref_squeeze %dma_start3A_147 : memref<1x128xf32, #tpu.memory_space<vmem>> -> memref<128xf32, #tpu.memory_space<vmem>>
    %dma_start3A_149 = arith.constant 0 : i32
    %dma_start3A_150 = tpu.memref_slice %arg5[%dma_start3A_144, %dma_start3A_149] : memref<32x128xi32, #tpu.memory_space<vmem>> -> memref<1x128xi32, #tpu.memory_space<vmem>>
    %dma_start3A_151 = tpu.memref_squeeze %dma_start3A_150 : memref<1x128xi32, #tpu.memory_space<vmem>> -> memref<128xi32, #tpu.memory_space<vmem>>
    %dma_start3A_152 = arith.constant 0 : i32
    %dma_start3A_153 = tpu.memref_slice %arg7[%dma_start3A_152] : memref<128xf32, #tpu.memory_space<vmem_shared>> -> memref<128xf32, #tpu.memory_space<vmem_shared>>
    tpu.enqueue_indirect_dma source(%dma_start3A_153 : memref<128xf32, #tpu.memory_space<vmem_shared>>) target(%dma_start3A_148 : memref<128xf32, #tpu.memory_space<vmem>>) offsets(%dma_start3A_151 : memref<128xi32, #tpu.memory_space<vmem>>) semaphore(%arg8 : memref<!tpu.dma_semaphore, #tpu.memory_space<semaphore_mem>>)
    %dma_start3A_154 = arith.constant 15 : i32
    %dma_start3A_155 = arith.constant 15 : i32
    %dma_start3A_156 = arith.constant 0 : i32
    %dma_start3A_157 = tpu.memref_slice %arg6[%dma_start3A_155, %dma_start3A_156] : memref<32x128xf32, #tpu.memory_space<vmem>> -> memref<1x128xf32, #tpu.memory_space<vmem>>
    %dma_start3A_158 = tpu.memref_squeeze %dma_start3A_157 : memref<1x128xf32, #tpu.memory_space<vmem>> -> memref<128xf32, #tpu.memory_space<vmem>>
    %dma_start3A_159 = arith.constant 0 : i32
    %dma_start3A_160 = tpu.memref_slice %arg5[%dma_start3A_154, %dma_start3A_159] : memref<32x128xi32, #tpu.memory_space<vmem>> -> memref<1x128xi32, #tpu.memory_space<vmem>>
    %dma_start3A_161 = tpu.memref_squeeze %dma_start3A_160 : memref<1x128xi32, #tpu.memory_space<vmem>> -> memref<128xi32, #tpu.memory_space<vmem>>
    %dma_start3A_162 = arith.constant 0 : i32
    %dma_start3A_163 = tpu.memref_slice %arg7[%dma_start3A_162] : memref<128xf32, #tpu.memory_space<vmem_shared>> -> memref<128xf32, #tpu.memory_space<vmem_shared>>
    tpu.enqueue_indirect_dma source(%dma_start3A_163 : memref<128xf32, #tpu.memory_space<vmem_shared>>) target(%dma_start3A_158 : memref<128xf32, #tpu.memory_space<vmem>>) offsets(%dma_start3A_161 : memref<128xi32, #tpu.memory_space<vmem>>) semaphore(%arg8 : memref<!tpu.dma_semaphore, #tpu.memory_space<semaphore_mem>>)
    %dma_start3A_164 = arith.constant 16 : i32
    %dma_start3A_165 = arith.constant 16 : i32
    %dma_start3A_166 = arith.constant 0 : i32
    %dma_start3A_167 = tpu.memref_slice %arg6[%dma_start3A_165, %dma_start3A_166] : memref<32x128xf32, #tpu.memory_space<vmem>> -> memref<1x128xf32, #tpu.memory_space<vmem>>
    %dma_start3A_168 = tpu.memref_squeeze %dma_start3A_167 : memref<1x128xf32, #tpu.memory_space<vmem>> -> memref<128xf32, #tpu.memory_space<vmem>>
    %dma_start3A_169 = arith.constant 0 : i32
    %dma_start3A_170 = tpu.memref_slice %arg5[%dma_start3A_164, %dma_start3A_169] : memref<32x128xi32, #tpu.memory_space<vmem>> -> memref<1x128xi32, #tpu.memory_space<vmem>>
    %dma_start3A_171 = tpu.memref_squeeze %dma_start3A_170 : memref<1x128xi32, #tpu.memory_space<vmem>> -> memref<128xi32, #tpu.memory_space<vmem>>
    %dma_start3A_172 = arith.constant 0 : i32
    %dma_start3A_173 = tpu.memref_slice %arg7[%dma_start3A_172] : memref<128xf32, #tpu.memory_space<vmem_shared>> -> memref<128xf32, #tpu.memory_space<vmem_shared>>
    tpu.enqueue_indirect_dma source(%dma_start3A_173 : memref<128xf32, #tpu.memory_space<vmem_shared>>) target(%dma_start3A_168 : memref<128xf32, #tpu.memory_space<vmem>>) offsets(%dma_start3A_171 : memref<128xi32, #tpu.memory_space<vmem>>) semaphore(%arg8 : memref<!tpu.dma_semaphore, #tpu.memory_space<semaphore_mem>>)
    %dma_start3A_174 = arith.constant 17 : i32
    %dma_start3A_175 = arith.constant 17 : i32
    %dma_start3A_176 = arith.constant 0 : i32
    %dma_start3A_177 = tpu.memref_slice %arg6[%dma_start3A_175, %dma_start3A_176] : memref<32x128xf32, #tpu.memory_space<vmem>> -> memref<1x128xf32, #tpu.memory_space<vmem>>
    %dma_start3A_178 = tpu.memref_squeeze %dma_start3A_177 : memref<1x128xf32, #tpu.memory_space<vmem>> -> memref<128xf32, #tpu.memory_space<vmem>>
    %dma_start3A_179 = arith.constant 0 : i32
    %dma_start3A_180 = tpu.memref_slice %arg5[%dma_start3A_174, %dma_start3A_179] : memref<32x128xi32, #tpu.memory_space<vmem>> -> memref<1x128xi32, #tpu.memory_space<vmem>>
    %dma_start3A_181 = tpu.memref_squeeze %dma_start3A_180 : memref<1x128xi32, #tpu.memory_space<vmem>> -> memref<128xi32, #tpu.memory_space<vmem>>
    %dma_start3A_182 = arith.constant 0 : i32
    %dma_start3A_183 = tpu.memref_slice %arg7[%dma_start3A_182] : memref<128xf32, #tpu.memory_space<vmem_shared>> -> memref<128xf32, #tpu.memory_space<vmem_shared>>
    tpu.enqueue_indirect_dma source(%dma_start3A_183 : memref<128xf32, #tpu.memory_space<vmem_shared>>) target(%dma_start3A_178 : memref<128xf32, #tpu.memory_space<vmem>>) offsets(%dma_start3A_181 : memref<128xi32, #tpu.memory_space<vmem>>) semaphore(%arg8 : memref<!tpu.dma_semaphore, #tpu.memory_space<semaphore_mem>>)
    %dma_start3A_184 = arith.constant 18 : i32
    %dma_start3A_185 = arith.constant 18 : i32
    %dma_start3A_186 = arith.constant 0 : i32
    %dma_start3A_187 = tpu.memref_slice %arg6[%dma_start3A_185, %dma_start3A_186] : memref<32x128xf32, #tpu.memory_space<vmem>> -> memref<1x128xf32, #tpu.memory_space<vmem>>
    %dma_start3A_188 = tpu.memref_squeeze %dma_start3A_187 : memref<1x128xf32, #tpu.memory_space<vmem>> -> memref<128xf32, #tpu.memory_space<vmem>>
    %dma_start3A_189 = arith.constant 0 : i32
    %dma_start3A_190 = tpu.memref_slice %arg5[%dma_start3A_184, %dma_start3A_189] : memref<32x128xi32, #tpu.memory_space<vmem>> -> memref<1x128xi32, #tpu.memory_space<vmem>>
    %dma_start3A_191 = tpu.memref_squeeze %dma_start3A_190 : memref<1x128xi32, #tpu.memory_space<vmem>> -> memref<128xi32, #tpu.memory_space<vmem>>
    %dma_start3A_192 = arith.constant 0 : i32
    %dma_start3A_193 = tpu.memref_slice %arg7[%dma_start3A_192] : memref<128xf32, #tpu.memory_space<vmem_shared>> -> memref<128xf32, #tpu.memory_space<vmem_shared>>
    tpu.enqueue_indirect_dma source(%dma_start3A_193 : memref<128xf32, #tpu.memory_space<vmem_shared>>) target(%dma_start3A_188 : memref<128xf32, #tpu.memory_space<vmem>>) offsets(%dma_start3A_191 : memref<128xi32, #tpu.memory_space<vmem>>) semaphore(%arg8 : memref<!tpu.dma_semaphore, #tpu.memory_space<semaphore_mem>>)
    %dma_start3A_194 = arith.constant 19 : i32
    %dma_start3A_195 = arith.constant 19 : i32
    %dma_start3A_196 = arith.constant 0 : i32
    %dma_start3A_197 = tpu.memref_slice %arg6[%dma_start3A_195, %dma_start3A_196] : memref<32x128xf32, #tpu.memory_space<vmem>> -> memref<1x128xf32, #tpu.memory_space<vmem>>
    %dma_start3A_198 = tpu.memref_squeeze %dma_start3A_197 : memref<1x128xf32, #tpu.memory_space<vmem>> -> memref<128xf32, #tpu.memory_space<vmem>>
    %dma_start3A_199 = arith.constant 0 : i32
    %dma_start3A_200 = tpu.memref_slice %arg5[%dma_start3A_194, %dma_start3A_199] : memref<32x128xi32, #tpu.memory_space<vmem>> -> memref<1x128xi32, #tpu.memory_space<vmem>>
    %dma_start3A_201 = tpu.memref_squeeze %dma_start3A_200 : memref<1x128xi32, #tpu.memory_space<vmem>> -> memref<128xi32, #tpu.memory_space<vmem>>
    %dma_start3A_202 = arith.constant 0 : i32
    %dma_start3A_203 = tpu.memref_slice %arg7[%dma_start3A_202] : memref<128xf32, #tpu.memory_space<vmem_shared>> -> memref<128xf32, #tpu.memory_space<vmem_shared>>
    tpu.enqueue_indirect_dma source(%dma_start3A_203 : memref<128xf32, #tpu.memory_space<vmem_shared>>) target(%dma_start3A_198 : memref<128xf32, #tpu.memory_space<vmem>>) offsets(%dma_start3A_201 : memref<128xi32, #tpu.memory_space<vmem>>) semaphore(%arg8 : memref<!tpu.dma_semaphore, #tpu.memory_space<semaphore_mem>>)
    %dma_start3A_204 = arith.constant 20 : i32
    %dma_start3A_205 = arith.constant 20 : i32
    %dma_start3A_206 = arith.constant 0 : i32
    %dma_start3A_207 = tpu.memref_slice %arg6[%dma_start3A_205, %dma_start3A_206] : memref<32x128xf32, #tpu.memory_space<vmem>> -> memref<1x128xf32, #tpu.memory_space<vmem>>
    %dma_start3A_208 = tpu.memref_squeeze %dma_start3A_207 : memref<1x128xf32, #tpu.memory_space<vmem>> -> memref<128xf32, #tpu.memory_space<vmem>>
    %dma_start3A_209 = arith.constant 0 : i32
    %dma_start3A_210 = tpu.memref_slice %arg5[%dma_start3A_204, %dma_start3A_209] : memref<32x128xi32, #tpu.memory_space<vmem>> -> memref<1x128xi32, #tpu.memory_space<vmem>>
    %dma_start3A_211 = tpu.memref_squeeze %dma_start3A_210 : memref<1x128xi32, #tpu.memory_space<vmem>> -> memref<128xi32, #tpu.memory_space<vmem>>
    %dma_start3A_212 = arith.constant 0 : i32
    %dma_start3A_213 = tpu.memref_slice %arg7[%dma_start3A_212] : memref<128xf32, #tpu.memory_space<vmem_shared>> -> memref<128xf32, #tpu.memory_space<vmem_shared>>
    tpu.enqueue_indirect_dma source(%dma_start3A_213 : memref<128xf32, #tpu.memory_space<vmem_shared>>) target(%dma_start3A_208 : memref<128xf32, #tpu.memory_space<vmem>>) offsets(%dma_start3A_211 : memref<128xi32, #tpu.memory_space<vmem>>) semaphore(%arg8 : memref<!tpu.dma_semaphore, #tpu.memory_space<semaphore_mem>>)
    %dma_start3A_214 = arith.constant 21 : i32
    %dma_start3A_215 = arith.constant 21 : i32
    %dma_start3A_216 = arith.constant 0 : i32
    %dma_start3A_217 = tpu.memref_slice %arg6[%dma_start3A_215, %dma_start3A_216] : memref<32x128xf32, #tpu.memory_space<vmem>> -> memref<1x128xf32, #tpu.memory_space<vmem>>
    %dma_start3A_218 = tpu.memref_squeeze %dma_start3A_217 : memref<1x128xf32, #tpu.memory_space<vmem>> -> memref<128xf32, #tpu.memory_space<vmem>>
    %dma_start3A_219 = arith.constant 0 : i32
    %dma_start3A_220 = tpu.memref_slice %arg5[%dma_start3A_214, %dma_start3A_219] : memref<32x128xi32, #tpu.memory_space<vmem>> -> memref<1x128xi32, #tpu.memory_space<vmem>>
    %dma_start3A_221 = tpu.memref_squeeze %dma_start3A_220 : memref<1x128xi32, #tpu.memory_space<vmem>> -> memref<128xi32, #tpu.memory_space<vmem>>
    %dma_start3A_222 = arith.constant 0 : i32
    %dma_start3A_223 = tpu.memref_slice %arg7[%dma_start3A_222] : memref<128xf32, #tpu.memory_space<vmem_shared>> -> memref<128xf32, #tpu.memory_space<vmem_shared>>
    tpu.enqueue_indirect_dma source(%dma_start3A_223 : memref<128xf32, #tpu.memory_space<vmem_shared>>) target(%dma_start3A_218 : memref<128xf32, #tpu.memory_space<vmem>>) offsets(%dma_start3A_221 : memref<128xi32, #tpu.memory_space<vmem>>) semaphore(%arg8 : memref<!tpu.dma_semaphore, #tpu.memory_space<semaphore_mem>>)
    %dma_start3A_224 = arith.constant 22 : i32
    %dma_start3A_225 = arith.constant 22 : i32
    %dma_start3A_226 = arith.constant 0 : i32
    %dma_start3A_227 = tpu.memref_slice %arg6[%dma_start3A_225, %dma_start3A_226] : memref<32x128xf32, #tpu.memory_space<vmem>> -> memref<1x128xf32, #tpu.memory_space<vmem>>
    %dma_start3A_228 = tpu.memref_squeeze %dma_start3A_227 : memref<1x128xf32, #tpu.memory_space<vmem>> -> memref<128xf32, #tpu.memory_space<vmem>>
    %dma_start3A_229 = arith.constant 0 : i32
    %dma_start3A_230 = tpu.memref_slice %arg5[%dma_start3A_224, %dma_start3A_229] : memref<32x128xi32, #tpu.memory_space<vmem>> -> memref<1x128xi32, #tpu.memory_space<vmem>>
    %dma_start3A_231 = tpu.memref_squeeze %dma_start3A_230 : memref<1x128xi32, #tpu.memory_space<vmem>> -> memref<128xi32, #tpu.memory_space<vmem>>
    %dma_start3A_232 = arith.constant 0 : i32
    %dma_start3A_233 = tpu.memref_slice %arg7[%dma_start3A_232] : memref<128xf32, #tpu.memory_space<vmem_shared>> -> memref<128xf32, #tpu.memory_space<vmem_shared>>
    tpu.enqueue_indirect_dma source(%dma_start3A_233 : memref<128xf32, #tpu.memory_space<vmem_shared>>) target(%dma_start3A_228 : memref<128xf32, #tpu.memory_space<vmem>>) offsets(%dma_start3A_231 : memref<128xi32, #tpu.memory_space<vmem>>) semaphore(%arg8 : memref<!tpu.dma_semaphore, #tpu.memory_space<semaphore_mem>>)
    %dma_start3A_234 = arith.constant 23 : i32
    %dma_start3A_235 = arith.constant 23 : i32
    %dma_start3A_236 = arith.constant 0 : i32
    %dma_start3A_237 = tpu.memref_slice %arg6[%dma_start3A_235, %dma_start3A_236] : memref<32x128xf32, #tpu.memory_space<vmem>> -> memref<1x128xf32, #tpu.memory_space<vmem>>
    %dma_start3A_238 = tpu.memref_squeeze %dma_start3A_237 : memref<1x128xf32, #tpu.memory_space<vmem>> -> memref<128xf32, #tpu.memory_space<vmem>>
    %dma_start3A_239 = arith.constant 0 : i32
    %dma_start3A_240 = tpu.memref_slice %arg5[%dma_start3A_234, %dma_start3A_239] : memref<32x128xi32, #tpu.memory_space<vmem>> -> memref<1x128xi32, #tpu.memory_space<vmem>>
    %dma_start3A_241 = tpu.memref_squeeze %dma_start3A_240 : memref<1x128xi32, #tpu.memory_space<vmem>> -> memref<128xi32, #tpu.memory_space<vmem>>
    %dma_start3A_242 = arith.constant 0 : i32
    %dma_start3A_243 = tpu.memref_slice %arg7[%dma_start3A_242] : memref<128xf32, #tpu.memory_space<vmem_shared>> -> memref<128xf32, #tpu.memory_space<vmem_shared>>
    tpu.enqueue_indirect_dma source(%dma_start3A_243 : memref<128xf32, #tpu.memory_space<vmem_shared>>) target(%dma_start3A_238 : memref<128xf32, #tpu.memory_space<vmem>>) offsets(%dma_start3A_241 : memref<128xi32, #tpu.memory_space<vmem>>) semaphore(%arg8 : memref<!tpu.dma_semaphore, #tpu.memory_space<semaphore_mem>>)
    %dma_start3A_244 = arith.constant 24 : i32
    %dma_start3A_245 = arith.constant 24 : i32
    %dma_start3A_246 = arith.constant 0 : i32
    %dma_start3A_247 = tpu.memref_slice %arg6[%dma_start3A_245, %dma_start3A_246] : memref<32x128xf32, #tpu.memory_space<vmem>> -> memref<1x128xf32, #tpu.memory_space<vmem>>
    %dma_start3A_248 = tpu.memref_squeeze %dma_start3A_247 : memref<1x128xf32, #tpu.memory_space<vmem>> -> memref<128xf32, #tpu.memory_space<vmem>>
    %dma_start3A_249 = arith.constant 0 : i32
    %dma_start3A_250 = tpu.memref_slice %arg5[%dma_start3A_244, %dma_start3A_249] : memref<32x128xi32, #tpu.memory_space<vmem>> -> memref<1x128xi32, #tpu.memory_space<vmem>>
    %dma_start3A_251 = tpu.memref_squeeze %dma_start3A_250 : memref<1x128xi32, #tpu.memory_space<vmem>> -> memref<128xi32, #tpu.memory_space<vmem>>
    %dma_start3A_252 = arith.constant 0 : i32
    %dma_start3A_253 = tpu.memref_slice %arg7[%dma_start3A_252] : memref<128xf32, #tpu.memory_space<vmem_shared>> -> memref<128xf32, #tpu.memory_space<vmem_shared>>
    tpu.enqueue_indirect_dma source(%dma_start3A_253 : memref<128xf32, #tpu.memory_space<vmem_shared>>) target(%dma_start3A_248 : memref<128xf32, #tpu.memory_space<vmem>>) offsets(%dma_start3A_251 : memref<128xi32, #tpu.memory_space<vmem>>) semaphore(%arg8 : memref<!tpu.dma_semaphore, #tpu.memory_space<semaphore_mem>>)
    %dma_start3A_254 = arith.constant 25 : i32
    %dma_start3A_255 = arith.constant 25 : i32
    %dma_start3A_256 = arith.constant 0 : i32
    %dma_start3A_257 = tpu.memref_slice %arg6[%dma_start3A_255, %dma_start3A_256] : memref<32x128xf32, #tpu.memory_space<vmem>> -> memref<1x128xf32, #tpu.memory_space<vmem>>
    %dma_start3A_258 = tpu.memref_squeeze %dma_start3A_257 : memref<1x128xf32, #tpu.memory_space<vmem>> -> memref<128xf32, #tpu.memory_space<vmem>>
    %dma_start3A_259 = arith.constant 0 : i32
    %dma_start3A_260 = tpu.memref_slice %arg5[%dma_start3A_254, %dma_start3A_259] : memref<32x128xi32, #tpu.memory_space<vmem>> -> memref<1x128xi32, #tpu.memory_space<vmem>>
    %dma_start3A_261 = tpu.memref_squeeze %dma_start3A_260 : memref<1x128xi32, #tpu.memory_space<vmem>> -> memref<128xi32, #tpu.memory_space<vmem>>
    %dma_start3A_262 = arith.constant 0 : i32
    %dma_start3A_263 = tpu.memref_slice %arg7[%dma_start3A_262] : memref<128xf32, #tpu.memory_space<vmem_shared>> -> memref<128xf32, #tpu.memory_space<vmem_shared>>
    tpu.enqueue_indirect_dma source(%dma_start3A_263 : memref<128xf32, #tpu.memory_space<vmem_shared>>) target(%dma_start3A_258 : memref<128xf32, #tpu.memory_space<vmem>>) offsets(%dma_start3A_261 : memref<128xi32, #tpu.memory_space<vmem>>) semaphore(%arg8 : memref<!tpu.dma_semaphore, #tpu.memory_space<semaphore_mem>>)
    %dma_start3A_264 = arith.constant 26 : i32
    %dma_start3A_265 = arith.constant 26 : i32
    %dma_start3A_266 = arith.constant 0 : i32
    %dma_start3A_267 = tpu.memref_slice %arg6[%dma_start3A_265, %dma_start3A_266] : memref<32x128xf32, #tpu.memory_space<vmem>> -> memref<1x128xf32, #tpu.memory_space<vmem>>
    %dma_start3A_268 = tpu.memref_squeeze %dma_start3A_267 : memref<1x128xf32, #tpu.memory_space<vmem>> -> memref<128xf32, #tpu.memory_space<vmem>>
    %dma_start3A_269 = arith.constant 0 : i32
    %dma_start3A_270 = tpu.memref_slice %arg5[%dma_start3A_264, %dma_start3A_269] : memref<32x128xi32, #tpu.memory_space<vmem>> -> memref<1x128xi32, #tpu.memory_space<vmem>>
    %dma_start3A_271 = tpu.memref_squeeze %dma_start3A_270 : memref<1x128xi32, #tpu.memory_space<vmem>> -> memref<128xi32, #tpu.memory_space<vmem>>
    %dma_start3A_272 = arith.constant 0 : i32
    %dma_start3A_273 = tpu.memref_slice %arg7[%dma_start3A_272] : memref<128xf32, #tpu.memory_space<vmem_shared>> -> memref<128xf32, #tpu.memory_space<vmem_shared>>
    tpu.enqueue_indirect_dma source(%dma_start3A_273 : memref<128xf32, #tpu.memory_space<vmem_shared>>) target(%dma_start3A_268 : memref<128xf32, #tpu.memory_space<vmem>>) offsets(%dma_start3A_271 : memref<128xi32, #tpu.memory_space<vmem>>) semaphore(%arg8 : memref<!tpu.dma_semaphore, #tpu.memory_space<semaphore_mem>>)
    %dma_start3A_274 = arith.constant 27 : i32
    %dma_start3A_275 = arith.constant 27 : i32
    %dma_start3A_276 = arith.constant 0 : i32
    %dma_start3A_277 = tpu.memref_slice %arg6[%dma_start3A_275, %dma_start3A_276] : memref<32x128xf32, #tpu.memory_space<vmem>> -> memref<1x128xf32, #tpu.memory_space<vmem>>
    %dma_start3A_278 = tpu.memref_squeeze %dma_start3A_277 : memref<1x128xf32, #tpu.memory_space<vmem>> -> memref<128xf32, #tpu.memory_space<vmem>>
    %dma_start3A_279 = arith.constant 0 : i32
    %dma_start3A_280 = tpu.memref_slice %arg5[%dma_start3A_274, %dma_start3A_279] : memref<32x128xi32, #tpu.memory_space<vmem>> -> memref<1x128xi32, #tpu.memory_space<vmem>>
    %dma_start3A_281 = tpu.memref_squeeze %dma_start3A_280 : memref<1x128xi32, #tpu.memory_space<vmem>> -> memref<128xi32, #tpu.memory_space<vmem>>
    %dma_start3A_282 = arith.constant 0 : i32
    %dma_start3A_283 = tpu.memref_slice %arg7[%dma_start3A_282] : memref<128xf32, #tpu.memory_space<vmem_shared>> -> memref<128xf32, #tpu.memory_space<vmem_shared>>
    tpu.enqueue_indirect_dma source(%dma_start3A_283 : memref<128xf32, #tpu.memory_space<vmem_shared>>) target(%dma_start3A_278 : memref<128xf32, #tpu.memory_space<vmem>>) offsets(%dma_start3A_281 : memref<128xi32, #tpu.memory_space<vmem>>) semaphore(%arg8 : memref<!tpu.dma_semaphore, #tpu.memory_space<semaphore_mem>>)
    %dma_start3A_284 = arith.constant 28 : i32
    %dma_start3A_285 = arith.constant 28 : i32
    %dma_start3A_286 = arith.constant 0 : i32
    %dma_start3A_287 = tpu.memref_slice %arg6[%dma_start3A_285, %dma_start3A_286] : memref<32x128xf32, #tpu.memory_space<vmem>> -> memref<1x128xf32, #tpu.memory_space<vmem>>
    %dma_start3A_288 = tpu.memref_squeeze %dma_start3A_287 : memref<1x128xf32, #tpu.memory_space<vmem>> -> memref<128xf32, #tpu.memory_space<vmem>>
    %dma_start3A_289 = arith.constant 0 : i32
    %dma_start3A_290 = tpu.memref_slice %arg5[%dma_start3A_284, %dma_start3A_289] : memref<32x128xi32, #tpu.memory_space<vmem>> -> memref<1x128xi32, #tpu.memory_space<vmem>>
    %dma_start3A_291 = tpu.memref_squeeze %dma_start3A_290 : memref<1x128xi32, #tpu.memory_space<vmem>> -> memref<128xi32, #tpu.memory_space<vmem>>
    %dma_start3A_292 = arith.constant 0 : i32
    %dma_start3A_293 = tpu.memref_slice %arg7[%dma_start3A_292] : memref<128xf32, #tpu.memory_space<vmem_shared>> -> memref<128xf32, #tpu.memory_space<vmem_shared>>
    tpu.enqueue_indirect_dma source(%dma_start3A_293 : memref<128xf32, #tpu.memory_space<vmem_shared>>) target(%dma_start3A_288 : memref<128xf32, #tpu.memory_space<vmem>>) offsets(%dma_start3A_291 : memref<128xi32, #tpu.memory_space<vmem>>) semaphore(%arg8 : memref<!tpu.dma_semaphore, #tpu.memory_space<semaphore_mem>>)
    %dma_start3A_294 = arith.constant 29 : i32
    %dma_start3A_295 = arith.constant 29 : i32
    %dma_start3A_296 = arith.constant 0 : i32
    %dma_start3A_297 = tpu.memref_slice %arg6[%dma_start3A_295, %dma_start3A_296] : memref<32x128xf32, #tpu.memory_space<vmem>> -> memref<1x128xf32, #tpu.memory_space<vmem>>
    %dma_start3A_298 = tpu.memref_squeeze %dma_start3A_297 : memref<1x128xf32, #tpu.memory_space<vmem>> -> memref<128xf32, #tpu.memory_space<vmem>>
    %dma_start3A_299 = arith.constant 0 : i32
    %dma_start3A_300 = tpu.memref_slice %arg5[%dma_start3A_294, %dma_start3A_299] : memref<32x128xi32, #tpu.memory_space<vmem>> -> memref<1x128xi32, #tpu.memory_space<vmem>>
    %dma_start3A_301 = tpu.memref_squeeze %dma_start3A_300 : memref<1x128xi32, #tpu.memory_space<vmem>> -> memref<128xi32, #tpu.memory_space<vmem>>
    %dma_start3A_302 = arith.constant 0 : i32
    %dma_start3A_303 = tpu.memref_slice %arg7[%dma_start3A_302] : memref<128xf32, #tpu.memory_space<vmem_shared>> -> memref<128xf32, #tpu.memory_space<vmem_shared>>
    tpu.enqueue_indirect_dma source(%dma_start3A_303 : memref<128xf32, #tpu.memory_space<vmem_shared>>) target(%dma_start3A_298 : memref<128xf32, #tpu.memory_space<vmem>>) offsets(%dma_start3A_301 : memref<128xi32, #tpu.memory_space<vmem>>) semaphore(%arg8 : memref<!tpu.dma_semaphore, #tpu.memory_space<semaphore_mem>>)
    %dma_start3A_304 = arith.constant 30 : i32
    %dma_start3A_305 = arith.constant 30 : i32
    %dma_start3A_306 = arith.constant 0 : i32
    %dma_start3A_307 = tpu.memref_slice %arg6[%dma_start3A_305, %dma_start3A_306] : memref<32x128xf32, #tpu.memory_space<vmem>> -> memref<1x128xf32, #tpu.memory_space<vmem>>
    %dma_start3A_308 = tpu.memref_squeeze %dma_start3A_307 : memref<1x128xf32, #tpu.memory_space<vmem>> -> memref<128xf32, #tpu.memory_space<vmem>>
    %dma_start3A_309 = arith.constant 0 : i32
    %dma_start3A_310 = tpu.memref_slice %arg5[%dma_start3A_304, %dma_start3A_309] : memref<32x128xi32, #tpu.memory_space<vmem>> -> memref<1x128xi32, #tpu.memory_space<vmem>>
    %dma_start3A_311 = tpu.memref_squeeze %dma_start3A_310 : memref<1x128xi32, #tpu.memory_space<vmem>> -> memref<128xi32, #tpu.memory_space<vmem>>
    %dma_start3A_312 = arith.constant 0 : i32
    %dma_start3A_313 = tpu.memref_slice %arg7[%dma_start3A_312] : memref<128xf32, #tpu.memory_space<vmem_shared>> -> memref<128xf32, #tpu.memory_space<vmem_shared>>
    tpu.enqueue_indirect_dma source(%dma_start3A_313 : memref<128xf32, #tpu.memory_space<vmem_shared>>) target(%dma_start3A_308 : memref<128xf32, #tpu.memory_space<vmem>>) offsets(%dma_start3A_311 : memref<128xi32, #tpu.memory_space<vmem>>) semaphore(%arg8 : memref<!tpu.dma_semaphore, #tpu.memory_space<semaphore_mem>>)
    %dma_start3A_314 = arith.constant 31 : i32
    %dma_start3A_315 = arith.constant 31 : i32
    %dma_start3A_316 = arith.constant 0 : i32
    %dma_start3A_317 = tpu.memref_slice %arg6[%dma_start3A_315, %dma_start3A_316] : memref<32x128xf32, #tpu.memory_space<vmem>> -> memref<1x128xf32, #tpu.memory_space<vmem>>
    %dma_start3A_318 = tpu.memref_squeeze %dma_start3A_317 : memref<1x128xf32, #tpu.memory_space<vmem>> -> memref<128xf32, #tpu.memory_space<vmem>>
    %dma_start3A_319 = arith.constant 0 : i32
    %dma_start3A_320 = tpu.memref_slice %arg5[%dma_start3A_314, %dma_start3A_319] : memref<32x128xi32, #tpu.memory_space<vmem>> -> memref<1x128xi32, #tpu.memory_space<vmem>>
    %dma_start3A_321 = tpu.memref_squeeze %dma_start3A_320 : memref<1x128xi32, #tpu.memory_space<vmem>> -> memref<128xi32, #tpu.memory_space<vmem>>
    %dma_start3A_322 = arith.constant 0 : i32
    %dma_start3A_323 = tpu.memref_slice %arg7[%dma_start3A_322] : memref<128xf32, #tpu.memory_space<vmem_shared>> -> memref<128xf32, #tpu.memory_space<vmem_shared>>
    tpu.enqueue_indirect_dma source(%dma_start3A_323 : memref<128xf32, #tpu.memory_space<vmem_shared>>) target(%dma_start3A_318 : memref<128xf32, #tpu.memory_space<vmem>>) offsets(%dma_start3A_321 : memref<128xi32, #tpu.memory_space<vmem>>) semaphore(%arg8 : memref<!tpu.dma_semaphore, #tpu.memory_space<semaphore_mem>>)
    %dma_wait3A = arith.constant 0 : i32
    %dma_wait3A_324 = arith.constant 0 : i32
    %dma_wait3A_325 = arith.constant 0 : i32
    %dma_wait3A_326 = tpu.memref_slice %arg6[%dma_wait3A_324, %dma_wait3A_325] : memref<32x128xf32, #tpu.memory_space<vmem>> -> memref<1x128xf32, #tpu.memory_space<vmem>>
    %dma_wait3A_327 = tpu.memref_squeeze %dma_wait3A_326 : memref<1x128xf32, #tpu.memory_space<vmem>> -> memref<128xf32, #tpu.memory_space<vmem>>
    %dma_wait3A_328 = arith.constant 0 : i32
    %dma_wait3A_329 = tpu.memref_slice %arg5[%dma_wait3A, %dma_wait3A_328] : memref<32x128xi32, #tpu.memory_space<vmem>> -> memref<1x128xi32, #tpu.memory_space<vmem>>
    %dma_wait3A_330 = tpu.memref_squeeze %dma_wait3A_329 : memref<1x128xi32, #tpu.memory_space<vmem>> -> memref<128xi32, #tpu.memory_space<vmem>>
    %dma_wait3A_331 = arith.constant 0 : i32
    %dma_wait3A_332 = tpu.memref_slice %arg7[%dma_wait3A_331] : memref<128xf32, #tpu.memory_space<vmem_shared>> -> memref<128xf32, #tpu.memory_space<vmem_shared>>
    tpu.wait_indirect_dma semaphore(%arg8 : memref<!tpu.dma_semaphore, #tpu.memory_space<semaphore_mem>>) src(%dma_wait3A_332 : memref<128xf32, #tpu.memory_space<vmem_shared>>) dst(%dma_wait3A_327 : memref<128xf32, #tpu.memory_space<vmem>>)
    %dma_wait3A_333 = arith.constant 1 : i32
    %dma_wait3A_334 = arith.constant 1 : i32
    %dma_wait3A_335 = arith.constant 0 : i32
    %dma_wait3A_336 = tpu.memref_slice %arg6[%dma_wait3A_334, %dma_wait3A_335] : memref<32x128xf32, #tpu.memory_space<vmem>> -> memref<1x128xf32, #tpu.memory_space<vmem>>
    %dma_wait3A_337 = tpu.memref_squeeze %dma_wait3A_336 : memref<1x128xf32, #tpu.memory_space<vmem>> -> memref<128xf32, #tpu.memory_space<vmem>>
    %dma_wait3A_338 = arith.constant 0 : i32
    %dma_wait3A_339 = tpu.memref_slice %arg5[%dma_wait3A_333, %dma_wait3A_338] : memref<32x128xi32, #tpu.memory_space<vmem>> -> memref<1x128xi32, #tpu.memory_space<vmem>>
    %dma_wait3A_340 = tpu.memref_squeeze %dma_wait3A_339 : memref<1x128xi32, #tpu.memory_space<vmem>> -> memref<128xi32, #tpu.memory_space<vmem>>
    %dma_wait3A_341 = arith.constant 0 : i32
    %dma_wait3A_342 = tpu.memref_slice %arg7[%dma_wait3A_341] : memref<128xf32, #tpu.memory_space<vmem_shared>> -> memref<128xf32, #tpu.memory_space<vmem_shared>>
    tpu.wait_indirect_dma semaphore(%arg8 : memref<!tpu.dma_semaphore, #tpu.memory_space<semaphore_mem>>) src(%dma_wait3A_342 : memref<128xf32, #tpu.memory_space<vmem_shared>>) dst(%dma_wait3A_337 : memref<128xf32, #tpu.memory_space<vmem>>)
    %dma_wait3A_343 = arith.constant 2 : i32
    %dma_wait3A_344 = arith.constant 2 : i32
    %dma_wait3A_345 = arith.constant 0 : i32
    %dma_wait3A_346 = tpu.memref_slice %arg6[%dma_wait3A_344, %dma_wait3A_345] : memref<32x128xf32, #tpu.memory_space<vmem>> -> memref<1x128xf32, #tpu.memory_space<vmem>>
    %dma_wait3A_347 = tpu.memref_squeeze %dma_wait3A_346 : memref<1x128xf32, #tpu.memory_space<vmem>> -> memref<128xf32, #tpu.memory_space<vmem>>
    %dma_wait3A_348 = arith.constant 0 : i32
    %dma_wait3A_349 = tpu.memref_slice %arg5[%dma_wait3A_343, %dma_wait3A_348] : memref<32x128xi32, #tpu.memory_space<vmem>> -> memref<1x128xi32, #tpu.memory_space<vmem>>
    %dma_wait3A_350 = tpu.memref_squeeze %dma_wait3A_349 : memref<1x128xi32, #tpu.memory_space<vmem>> -> memref<128xi32, #tpu.memory_space<vmem>>
    %dma_wait3A_351 = arith.constant 0 : i32
    %dma_wait3A_352 = tpu.memref_slice %arg7[%dma_wait3A_351] : memref<128xf32, #tpu.memory_space<vmem_shared>> -> memref<128xf32, #tpu.memory_space<vmem_shared>>
    tpu.wait_indirect_dma semaphore(%arg8 : memref<!tpu.dma_semaphore, #tpu.memory_space<semaphore_mem>>) src(%dma_wait3A_352 : memref<128xf32, #tpu.memory_space<vmem_shared>>) dst(%dma_wait3A_347 : memref<128xf32, #tpu.memory_space<vmem>>)
    %dma_wait3A_353 = arith.constant 3 : i32
    %dma_wait3A_354 = arith.constant 3 : i32
    %dma_wait3A_355 = arith.constant 0 : i32
    %dma_wait3A_356 = tpu.memref_slice %arg6[%dma_wait3A_354, %dma_wait3A_355] : memref<32x128xf32, #tpu.memory_space<vmem>> -> memref<1x128xf32, #tpu.memory_space<vmem>>
    %dma_wait3A_357 = tpu.memref_squeeze %dma_wait3A_356 : memref<1x128xf32, #tpu.memory_space<vmem>> -> memref<128xf32, #tpu.memory_space<vmem>>
    %dma_wait3A_358 = arith.constant 0 : i32
    %dma_wait3A_359 = tpu.memref_slice %arg5[%dma_wait3A_353, %dma_wait3A_358] : memref<32x128xi32, #tpu.memory_space<vmem>> -> memref<1x128xi32, #tpu.memory_space<vmem>>
    %dma_wait3A_360 = tpu.memref_squeeze %dma_wait3A_359 : memref<1x128xi32, #tpu.memory_space<vmem>> -> memref<128xi32, #tpu.memory_space<vmem>>
    %dma_wait3A_361 = arith.constant 0 : i32
    %dma_wait3A_362 = tpu.memref_slice %arg7[%dma_wait3A_361] : memref<128xf32, #tpu.memory_space<vmem_shared>> -> memref<128xf32, #tpu.memory_space<vmem_shared>>
    tpu.wait_indirect_dma semaphore(%arg8 : memref<!tpu.dma_semaphore, #tpu.memory_space<semaphore_mem>>) src(%dma_wait3A_362 : memref<128xf32, #tpu.memory_space<vmem_shared>>) dst(%dma_wait3A_357 : memref<128xf32, #tpu.memory_space<vmem>>)
    %dma_wait3A_363 = arith.constant 4 : i32
    %dma_wait3A_364 = arith.constant 4 : i32
    %dma_wait3A_365 = arith.constant 0 : i32
    %dma_wait3A_366 = tpu.memref_slice %arg6[%dma_wait3A_364, %dma_wait3A_365] : memref<32x128xf32, #tpu.memory_space<vmem>> -> memref<1x128xf32, #tpu.memory_space<vmem>>
    %dma_wait3A_367 = tpu.memref_squeeze %dma_wait3A_366 : memref<1x128xf32, #tpu.memory_space<vmem>> -> memref<128xf32, #tpu.memory_space<vmem>>
    %dma_wait3A_368 = arith.constant 0 : i32
    %dma_wait3A_369 = tpu.memref_slice %arg5[%dma_wait3A_363, %dma_wait3A_368] : memref<32x128xi32, #tpu.memory_space<vmem>> -> memref<1x128xi32, #tpu.memory_space<vmem>>
    %dma_wait3A_370 = tpu.memref_squeeze %dma_wait3A_369 : memref<1x128xi32, #tpu.memory_space<vmem>> -> memref<128xi32, #tpu.memory_space<vmem>>
    %dma_wait3A_371 = arith.constant 0 : i32
    %dma_wait3A_372 = tpu.memref_slice %arg7[%dma_wait3A_371] : memref<128xf32, #tpu.memory_space<vmem_shared>> -> memref<128xf32, #tpu.memory_space<vmem_shared>>
    tpu.wait_indirect_dma semaphore(%arg8 : memref<!tpu.dma_semaphore, #tpu.memory_space<semaphore_mem>>) src(%dma_wait3A_372 : memref<128xf32, #tpu.memory_space<vmem_shared>>) dst(%dma_wait3A_367 : memref<128xf32, #tpu.memory_space<vmem>>)
    %dma_wait3A_373 = arith.constant 5 : i32
    %dma_wait3A_374 = arith.constant 5 : i32
    %dma_wait3A_375 = arith.constant 0 : i32
    %dma_wait3A_376 = tpu.memref_slice %arg6[%dma_wait3A_374, %dma_wait3A_375] : memref<32x128xf32, #tpu.memory_space<vmem>> -> memref<1x128xf32, #tpu.memory_space<vmem>>
    %dma_wait3A_377 = tpu.memref_squeeze %dma_wait3A_376 : memref<1x128xf32, #tpu.memory_space<vmem>> -> memref<128xf32, #tpu.memory_space<vmem>>
    %dma_wait3A_378 = arith.constant 0 : i32
    %dma_wait3A_379 = tpu.memref_slice %arg5[%dma_wait3A_373, %dma_wait3A_378] : memref<32x128xi32, #tpu.memory_space<vmem>> -> memref<1x128xi32, #tpu.memory_space<vmem>>
    %dma_wait3A_380 = tpu.memref_squeeze %dma_wait3A_379 : memref<1x128xi32, #tpu.memory_space<vmem>> -> memref<128xi32, #tpu.memory_space<vmem>>
    %dma_wait3A_381 = arith.constant 0 : i32
    %dma_wait3A_382 = tpu.memref_slice %arg7[%dma_wait3A_381] : memref<128xf32, #tpu.memory_space<vmem_shared>> -> memref<128xf32, #tpu.memory_space<vmem_shared>>
    tpu.wait_indirect_dma semaphore(%arg8 : memref<!tpu.dma_semaphore, #tpu.memory_space<semaphore_mem>>) src(%dma_wait3A_382 : memref<128xf32, #tpu.memory_space<vmem_shared>>) dst(%dma_wait3A_377 : memref<128xf32, #tpu.memory_space<vmem>>)
    %dma_wait3A_383 = arith.constant 6 : i32
    %dma_wait3A_384 = arith.constant 6 : i32
    %dma_wait3A_385 = arith.constant 0 : i32
    %dma_wait3A_386 = tpu.memref_slice %arg6[%dma_wait3A_384, %dma_wait3A_385] : memref<32x128xf32, #tpu.memory_space<vmem>> -> memref<1x128xf32, #tpu.memory_space<vmem>>
    %dma_wait3A_387 = tpu.memref_squeeze %dma_wait3A_386 : memref<1x128xf32, #tpu.memory_space<vmem>> -> memref<128xf32, #tpu.memory_space<vmem>>
    %dma_wait3A_388 = arith.constant 0 : i32
    %dma_wait3A_389 = tpu.memref_slice %arg5[%dma_wait3A_383, %dma_wait3A_388] : memref<32x128xi32, #tpu.memory_space<vmem>> -> memref<1x128xi32, #tpu.memory_space<vmem>>
    %dma_wait3A_390 = tpu.memref_squeeze %dma_wait3A_389 : memref<1x128xi32, #tpu.memory_space<vmem>> -> memref<128xi32, #tpu.memory_space<vmem>>
    %dma_wait3A_391 = arith.constant 0 : i32
    %dma_wait3A_392 = tpu.memref_slice %arg7[%dma_wait3A_391] : memref<128xf32, #tpu.memory_space<vmem_shared>> -> memref<128xf32, #tpu.memory_space<vmem_shared>>
    tpu.wait_indirect_dma semaphore(%arg8 : memref<!tpu.dma_semaphore, #tpu.memory_space<semaphore_mem>>) src(%dma_wait3A_392 : memref<128xf32, #tpu.memory_space<vmem_shared>>) dst(%dma_wait3A_387 : memref<128xf32, #tpu.memory_space<vmem>>)
    %dma_wait3A_393 = arith.constant 7 : i32
    %dma_wait3A_394 = arith.constant 7 : i32
    %dma_wait3A_395 = arith.constant 0 : i32
    %dma_wait3A_396 = tpu.memref_slice %arg6[%dma_wait3A_394, %dma_wait3A_395] : memref<32x128xf32, #tpu.memory_space<vmem>> -> memref<1x128xf32, #tpu.memory_space<vmem>>
    %dma_wait3A_397 = tpu.memref_squeeze %dma_wait3A_396 : memref<1x128xf32, #tpu.memory_space<vmem>> -> memref<128xf32, #tpu.memory_space<vmem>>
    %dma_wait3A_398 = arith.constant 0 : i32
    %dma_wait3A_399 = tpu.memref_slice %arg5[%dma_wait3A_393, %dma_wait3A_398] : memref<32x128xi32, #tpu.memory_space<vmem>> -> memref<1x128xi32, #tpu.memory_space<vmem>>
    %dma_wait3A_400 = tpu.memref_squeeze %dma_wait3A_399 : memref<1x128xi32, #tpu.memory_space<vmem>> -> memref<128xi32, #tpu.memory_space<vmem>>
    %dma_wait3A_401 = arith.constant 0 : i32
    %dma_wait3A_402 = tpu.memref_slice %arg7[%dma_wait3A_401] : memref<128xf32, #tpu.memory_space<vmem_shared>> -> memref<128xf32, #tpu.memory_space<vmem_shared>>
    tpu.wait_indirect_dma semaphore(%arg8 : memref<!tpu.dma_semaphore, #tpu.memory_space<semaphore_mem>>) src(%dma_wait3A_402 : memref<128xf32, #tpu.memory_space<vmem_shared>>) dst(%dma_wait3A_397 : memref<128xf32, #tpu.memory_space<vmem>>)
    %dma_wait3A_403 = arith.constant 8 : i32
    %dma_wait3A_404 = arith.constant 8 : i32
    %dma_wait3A_405 = arith.constant 0 : i32
    %dma_wait3A_406 = tpu.memref_slice %arg6[%dma_wait3A_404, %dma_wait3A_405] : memref<32x128xf32, #tpu.memory_space<vmem>> -> memref<1x128xf32, #tpu.memory_space<vmem>>
    %dma_wait3A_407 = tpu.memref_squeeze %dma_wait3A_406 : memref<1x128xf32, #tpu.memory_space<vmem>> -> memref<128xf32, #tpu.memory_space<vmem>>
    %dma_wait3A_408 = arith.constant 0 : i32
    %dma_wait3A_409 = tpu.memref_slice %arg5[%dma_wait3A_403, %dma_wait3A_408] : memref<32x128xi32, #tpu.memory_space<vmem>> -> memref<1x128xi32, #tpu.memory_space<vmem>>
    %dma_wait3A_410 = tpu.memref_squeeze %dma_wait3A_409 : memref<1x128xi32, #tpu.memory_space<vmem>> -> memref<128xi32, #tpu.memory_space<vmem>>
    %dma_wait3A_411 = arith.constant 0 : i32
    %dma_wait3A_412 = tpu.memref_slice %arg7[%dma_wait3A_411] : memref<128xf32, #tpu.memory_space<vmem_shared>> -> memref<128xf32, #tpu.memory_space<vmem_shared>>
    tpu.wait_indirect_dma semaphore(%arg8 : memref<!tpu.dma_semaphore, #tpu.memory_space<semaphore_mem>>) src(%dma_wait3A_412 : memref<128xf32, #tpu.memory_space<vmem_shared>>) dst(%dma_wait3A_407 : memref<128xf32, #tpu.memory_space<vmem>>)
    %dma_wait3A_413 = arith.constant 9 : i32
    %dma_wait3A_414 = arith.constant 9 : i32
    %dma_wait3A_415 = arith.constant 0 : i32
    %dma_wait3A_416 = tpu.memref_slice %arg6[%dma_wait3A_414, %dma_wait3A_415] : memref<32x128xf32, #tpu.memory_space<vmem>> -> memref<1x128xf32, #tpu.memory_space<vmem>>
    %dma_wait3A_417 = tpu.memref_squeeze %dma_wait3A_416 : memref<1x128xf32, #tpu.memory_space<vmem>> -> memref<128xf32, #tpu.memory_space<vmem>>
    %dma_wait3A_418 = arith.constant 0 : i32
    %dma_wait3A_419 = tpu.memref_slice %arg5[%dma_wait3A_413, %dma_wait3A_418] : memref<32x128xi32, #tpu.memory_space<vmem>> -> memref<1x128xi32, #tpu.memory_space<vmem>>
    %dma_wait3A_420 = tpu.memref_squeeze %dma_wait3A_419 : memref<1x128xi32, #tpu.memory_space<vmem>> -> memref<128xi32, #tpu.memory_space<vmem>>
    %dma_wait3A_421 = arith.constant 0 : i32
    %dma_wait3A_422 = tpu.memref_slice %arg7[%dma_wait3A_421] : memref<128xf32, #tpu.memory_space<vmem_shared>> -> memref<128xf32, #tpu.memory_space<vmem_shared>>
    tpu.wait_indirect_dma semaphore(%arg8 : memref<!tpu.dma_semaphore, #tpu.memory_space<semaphore_mem>>) src(%dma_wait3A_422 : memref<128xf32, #tpu.memory_space<vmem_shared>>) dst(%dma_wait3A_417 : memref<128xf32, #tpu.memory_space<vmem>>)
    %dma_wait3A_423 = arith.constant 10 : i32
    %dma_wait3A_424 = arith.constant 10 : i32
    %dma_wait3A_425 = arith.constant 0 : i32
    %dma_wait3A_426 = tpu.memref_slice %arg6[%dma_wait3A_424, %dma_wait3A_425] : memref<32x128xf32, #tpu.memory_space<vmem>> -> memref<1x128xf32, #tpu.memory_space<vmem>>
    %dma_wait3A_427 = tpu.memref_squeeze %dma_wait3A_426 : memref<1x128xf32, #tpu.memory_space<vmem>> -> memref<128xf32, #tpu.memory_space<vmem>>
    %dma_wait3A_428 = arith.constant 0 : i32
    %dma_wait3A_429 = tpu.memref_slice %arg5[%dma_wait3A_423, %dma_wait3A_428] : memref<32x128xi32, #tpu.memory_space<vmem>> -> memref<1x128xi32, #tpu.memory_space<vmem>>
    %dma_wait3A_430 = tpu.memref_squeeze %dma_wait3A_429 : memref<1x128xi32, #tpu.memory_space<vmem>> -> memref<128xi32, #tpu.memory_space<vmem>>
    %dma_wait3A_431 = arith.constant 0 : i32
    %dma_wait3A_432 = tpu.memref_slice %arg7[%dma_wait3A_431] : memref<128xf32, #tpu.memory_space<vmem_shared>> -> memref<128xf32, #tpu.memory_space<vmem_shared>>
    tpu.wait_indirect_dma semaphore(%arg8 : memref<!tpu.dma_semaphore, #tpu.memory_space<semaphore_mem>>) src(%dma_wait3A_432 : memref<128xf32, #tpu.memory_space<vmem_shared>>) dst(%dma_wait3A_427 : memref<128xf32, #tpu.memory_space<vmem>>)
    %dma_wait3A_433 = arith.constant 11 : i32
    %dma_wait3A_434 = arith.constant 11 : i32
    %dma_wait3A_435 = arith.constant 0 : i32
    %dma_wait3A_436 = tpu.memref_slice %arg6[%dma_wait3A_434, %dma_wait3A_435] : memref<32x128xf32, #tpu.memory_space<vmem>> -> memref<1x128xf32, #tpu.memory_space<vmem>>
    %dma_wait3A_437 = tpu.memref_squeeze %dma_wait3A_436 : memref<1x128xf32, #tpu.memory_space<vmem>> -> memref<128xf32, #tpu.memory_space<vmem>>
    %dma_wait3A_438 = arith.constant 0 : i32
    %dma_wait3A_439 = tpu.memref_slice %arg5[%dma_wait3A_433, %dma_wait3A_438] : memref<32x128xi32, #tpu.memory_space<vmem>> -> memref<1x128xi32, #tpu.memory_space<vmem>>
    %dma_wait3A_440 = tpu.memref_squeeze %dma_wait3A_439 : memref<1x128xi32, #tpu.memory_space<vmem>> -> memref<128xi32, #tpu.memory_space<vmem>>
    %dma_wait3A_441 = arith.constant 0 : i32
    %dma_wait3A_442 = tpu.memref_slice %arg7[%dma_wait3A_441] : memref<128xf32, #tpu.memory_space<vmem_shared>> -> memref<128xf32, #tpu.memory_space<vmem_shared>>
    tpu.wait_indirect_dma semaphore(%arg8 : memref<!tpu.dma_semaphore, #tpu.memory_space<semaphore_mem>>) src(%dma_wait3A_442 : memref<128xf32, #tpu.memory_space<vmem_shared>>) dst(%dma_wait3A_437 : memref<128xf32, #tpu.memory_space<vmem>>)
    %dma_wait3A_443 = arith.constant 12 : i32
    %dma_wait3A_444 = arith.constant 12 : i32
    %dma_wait3A_445 = arith.constant 0 : i32
    %dma_wait3A_446 = tpu.memref_slice %arg6[%dma_wait3A_444, %dma_wait3A_445] : memref<32x128xf32, #tpu.memory_space<vmem>> -> memref<1x128xf32, #tpu.memory_space<vmem>>
    %dma_wait3A_447 = tpu.memref_squeeze %dma_wait3A_446 : memref<1x128xf32, #tpu.memory_space<vmem>> -> memref<128xf32, #tpu.memory_space<vmem>>
    %dma_wait3A_448 = arith.constant 0 : i32
    %dma_wait3A_449 = tpu.memref_slice %arg5[%dma_wait3A_443, %dma_wait3A_448] : memref<32x128xi32, #tpu.memory_space<vmem>> -> memref<1x128xi32, #tpu.memory_space<vmem>>
    %dma_wait3A_450 = tpu.memref_squeeze %dma_wait3A_449 : memref<1x128xi32, #tpu.memory_space<vmem>> -> memref<128xi32, #tpu.memory_space<vmem>>
    %dma_wait3A_451 = arith.constant 0 : i32
    %dma_wait3A_452 = tpu.memref_slice %arg7[%dma_wait3A_451] : memref<128xf32, #tpu.memory_space<vmem_shared>> -> memref<128xf32, #tpu.memory_space<vmem_shared>>
    tpu.wait_indirect_dma semaphore(%arg8 : memref<!tpu.dma_semaphore, #tpu.memory_space<semaphore_mem>>) src(%dma_wait3A_452 : memref<128xf32, #tpu.memory_space<vmem_shared>>) dst(%dma_wait3A_447 : memref<128xf32, #tpu.memory_space<vmem>>)
    %dma_wait3A_453 = arith.constant 13 : i32
    %dma_wait3A_454 = arith.constant 13 : i32
    %dma_wait3A_455 = arith.constant 0 : i32
    %dma_wait3A_456 = tpu.memref_slice %arg6[%dma_wait3A_454, %dma_wait3A_455] : memref<32x128xf32, #tpu.memory_space<vmem>> -> memref<1x128xf32, #tpu.memory_space<vmem>>
    %dma_wait3A_457 = tpu.memref_squeeze %dma_wait3A_456 : memref<1x128xf32, #tpu.memory_space<vmem>> -> memref<128xf32, #tpu.memory_space<vmem>>
    %dma_wait3A_458 = arith.constant 0 : i32
    %dma_wait3A_459 = tpu.memref_slice %arg5[%dma_wait3A_453, %dma_wait3A_458] : memref<32x128xi32, #tpu.memory_space<vmem>> -> memref<1x128xi32, #tpu.memory_space<vmem>>
    %dma_wait3A_460 = tpu.memref_squeeze %dma_wait3A_459 : memref<1x128xi32, #tpu.memory_space<vmem>> -> memref<128xi32, #tpu.memory_space<vmem>>
    %dma_wait3A_461 = arith.constant 0 : i32
    %dma_wait3A_462 = tpu.memref_slice %arg7[%dma_wait3A_461] : memref<128xf32, #tpu.memory_space<vmem_shared>> -> memref<128xf32, #tpu.memory_space<vmem_shared>>
    tpu.wait_indirect_dma semaphore(%arg8 : memref<!tpu.dma_semaphore, #tpu.memory_space<semaphore_mem>>) src(%dma_wait3A_462 : memref<128xf32, #tpu.memory_space<vmem_shared>>) dst(%dma_wait3A_457 : memref<128xf32, #tpu.memory_space<vmem>>)
    %dma_wait3A_463 = arith.constant 14 : i32
    %dma_wait3A_464 = arith.constant 14 : i32
    %dma_wait3A_465 = arith.constant 0 : i32
    %dma_wait3A_466 = tpu.memref_slice %arg6[%dma_wait3A_464, %dma_wait3A_465] : memref<32x128xf32, #tpu.memory_space<vmem>> -> memref<1x128xf32, #tpu.memory_space<vmem>>
    %dma_wait3A_467 = tpu.memref_squeeze %dma_wait3A_466 : memref<1x128xf32, #tpu.memory_space<vmem>> -> memref<128xf32, #tpu.memory_space<vmem>>
    %dma_wait3A_468 = arith.constant 0 : i32
    %dma_wait3A_469 = tpu.memref_slice %arg5[%dma_wait3A_463, %dma_wait3A_468] : memref<32x128xi32, #tpu.memory_space<vmem>> -> memref<1x128xi32, #tpu.memory_space<vmem>>
    %dma_wait3A_470 = tpu.memref_squeeze %dma_wait3A_469 : memref<1x128xi32, #tpu.memory_space<vmem>> -> memref<128xi32, #tpu.memory_space<vmem>>
    %dma_wait3A_471 = arith.constant 0 : i32
    %dma_wait3A_472 = tpu.memref_slice %arg7[%dma_wait3A_471] : memref<128xf32, #tpu.memory_space<vmem_shared>> -> memref<128xf32, #tpu.memory_space<vmem_shared>>
    tpu.wait_indirect_dma semaphore(%arg8 : memref<!tpu.dma_semaphore, #tpu.memory_space<semaphore_mem>>) src(%dma_wait3A_472 : memref<128xf32, #tpu.memory_space<vmem_shared>>) dst(%dma_wait3A_467 : memref<128xf32, #tpu.memory_space<vmem>>)
    %dma_wait3A_473 = arith.constant 15 : i32
    %dma_wait3A_474 = arith.constant 15 : i32
    %dma_wait3A_475 = arith.constant 0 : i32
    %dma_wait3A_476 = tpu.memref_slice %arg6[%dma_wait3A_474, %dma_wait3A_475] : memref<32x128xf32, #tpu.memory_space<vmem>> -> memref<1x128xf32, #tpu.memory_space<vmem>>
    %dma_wait3A_477 = tpu.memref_squeeze %dma_wait3A_476 : memref<1x128xf32, #tpu.memory_space<vmem>> -> memref<128xf32, #tpu.memory_space<vmem>>
    %dma_wait3A_478 = arith.constant 0 : i32
    %dma_wait3A_479 = tpu.memref_slice %arg5[%dma_wait3A_473, %dma_wait3A_478] : memref<32x128xi32, #tpu.memory_space<vmem>> -> memref<1x128xi32, #tpu.memory_space<vmem>>
    %dma_wait3A_480 = tpu.memref_squeeze %dma_wait3A_479 : memref<1x128xi32, #tpu.memory_space<vmem>> -> memref<128xi32, #tpu.memory_space<vmem>>
    %dma_wait3A_481 = arith.constant 0 : i32
    %dma_wait3A_482 = tpu.memref_slice %arg7[%dma_wait3A_481] : memref<128xf32, #tpu.memory_space<vmem_shared>> -> memref<128xf32, #tpu.memory_space<vmem_shared>>
    tpu.wait_indirect_dma semaphore(%arg8 : memref<!tpu.dma_semaphore, #tpu.memory_space<semaphore_mem>>) src(%dma_wait3A_482 : memref<128xf32, #tpu.memory_space<vmem_shared>>) dst(%dma_wait3A_477 : memref<128xf32, #tpu.memory_space<vmem>>)
    %dma_wait3A_483 = arith.constant 16 : i32
    %dma_wait3A_484 = arith.constant 16 : i32
    %dma_wait3A_485 = arith.constant 0 : i32
    %dma_wait3A_486 = tpu.memref_slice %arg6[%dma_wait3A_484, %dma_wait3A_485] : memref<32x128xf32, #tpu.memory_space<vmem>> -> memref<1x128xf32, #tpu.memory_space<vmem>>
    %dma_wait3A_487 = tpu.memref_squeeze %dma_wait3A_486 : memref<1x128xf32, #tpu.memory_space<vmem>> -> memref<128xf32, #tpu.memory_space<vmem>>
    %dma_wait3A_488 = arith.constant 0 : i32
    %dma_wait3A_489 = tpu.memref_slice %arg5[%dma_wait3A_483, %dma_wait3A_488] : memref<32x128xi32, #tpu.memory_space<vmem>> -> memref<1x128xi32, #tpu.memory_space<vmem>>
    %dma_wait3A_490 = tpu.memref_squeeze %dma_wait3A_489 : memref<1x128xi32, #tpu.memory_space<vmem>> -> memref<128xi32, #tpu.memory_space<vmem>>
    %dma_wait3A_491 = arith.constant 0 : i32
    %dma_wait3A_492 = tpu.memref_slice %arg7[%dma_wait3A_491] : memref<128xf32, #tpu.memory_space<vmem_shared>> -> memref<128xf32, #tpu.memory_space<vmem_shared>>
    tpu.wait_indirect_dma semaphore(%arg8 : memref<!tpu.dma_semaphore, #tpu.memory_space<semaphore_mem>>) src(%dma_wait3A_492 : memref<128xf32, #tpu.memory_space<vmem_shared>>) dst(%dma_wait3A_487 : memref<128xf32, #tpu.memory_space<vmem>>)
    %dma_wait3A_493 = arith.constant 17 : i32
    %dma_wait3A_494 = arith.constant 17 : i32
    %dma_wait3A_495 = arith.constant 0 : i32
    %dma_wait3A_496 = tpu.memref_slice %arg6[%dma_wait3A_494, %dma_wait3A_495] : memref<32x128xf32, #tpu.memory_space<vmem>> -> memref<1x128xf32, #tpu.memory_space<vmem>>
    %dma_wait3A_497 = tpu.memref_squeeze %dma_wait3A_496 : memref<1x128xf32, #tpu.memory_space<vmem>> -> memref<128xf32, #tpu.memory_space<vmem>>
    %dma_wait3A_498 = arith.constant 0 : i32
    %dma_wait3A_499 = tpu.memref_slice %arg5[%dma_wait3A_493, %dma_wait3A_498] : memref<32x128xi32, #tpu.memory_space<vmem>> -> memref<1x128xi32, #tpu.memory_space<vmem>>
    %dma_wait3A_500 = tpu.memref_squeeze %dma_wait3A_499 : memref<1x128xi32, #tpu.memory_space<vmem>> -> memref<128xi32, #tpu.memory_space<vmem>>
    %dma_wait3A_501 = arith.constant 0 : i32
    %dma_wait3A_502 = tpu.memref_slice %arg7[%dma_wait3A_501] : memref<128xf32, #tpu.memory_space<vmem_shared>> -> memref<128xf32, #tpu.memory_space<vmem_shared>>
    tpu.wait_indirect_dma semaphore(%arg8 : memref<!tpu.dma_semaphore, #tpu.memory_space<semaphore_mem>>) src(%dma_wait3A_502 : memref<128xf32, #tpu.memory_space<vmem_shared>>) dst(%dma_wait3A_497 : memref<128xf32, #tpu.memory_space<vmem>>)
    %dma_wait3A_503 = arith.constant 18 : i32
    %dma_wait3A_504 = arith.constant 18 : i32
    %dma_wait3A_505 = arith.constant 0 : i32
    %dma_wait3A_506 = tpu.memref_slice %arg6[%dma_wait3A_504, %dma_wait3A_505] : memref<32x128xf32, #tpu.memory_space<vmem>> -> memref<1x128xf32, #tpu.memory_space<vmem>>
    %dma_wait3A_507 = tpu.memref_squeeze %dma_wait3A_506 : memref<1x128xf32, #tpu.memory_space<vmem>> -> memref<128xf32, #tpu.memory_space<vmem>>
    %dma_wait3A_508 = arith.constant 0 : i32
    %dma_wait3A_509 = tpu.memref_slice %arg5[%dma_wait3A_503, %dma_wait3A_508] : memref<32x128xi32, #tpu.memory_space<vmem>> -> memref<1x128xi32, #tpu.memory_space<vmem>>
    %dma_wait3A_510 = tpu.memref_squeeze %dma_wait3A_509 : memref<1x128xi32, #tpu.memory_space<vmem>> -> memref<128xi32, #tpu.memory_space<vmem>>
    %dma_wait3A_511 = arith.constant 0 : i32
    %dma_wait3A_512 = tpu.memref_slice %arg7[%dma_wait3A_511] : memref<128xf32, #tpu.memory_space<vmem_shared>> -> memref<128xf32, #tpu.memory_space<vmem_shared>>
    tpu.wait_indirect_dma semaphore(%arg8 : memref<!tpu.dma_semaphore, #tpu.memory_space<semaphore_mem>>) src(%dma_wait3A_512 : memref<128xf32, #tpu.memory_space<vmem_shared>>) dst(%dma_wait3A_507 : memref<128xf32, #tpu.memory_space<vmem>>)
    %dma_wait3A_513 = arith.constant 19 : i32
    %dma_wait3A_514 = arith.constant 19 : i32
    %dma_wait3A_515 = arith.constant 0 : i32
    %dma_wait3A_516 = tpu.memref_slice %arg6[%dma_wait3A_514, %dma_wait3A_515] : memref<32x128xf32, #tpu.memory_space<vmem>> -> memref<1x128xf32, #tpu.memory_space<vmem>>
    %dma_wait3A_517 = tpu.memref_squeeze %dma_wait3A_516 : memref<1x128xf32, #tpu.memory_space<vmem>> -> memref<128xf32, #tpu.memory_space<vmem>>
    %dma_wait3A_518 = arith.constant 0 : i32
    %dma_wait3A_519 = tpu.memref_slice %arg5[%dma_wait3A_513, %dma_wait3A_518] : memref<32x128xi32, #tpu.memory_space<vmem>> -> memref<1x128xi32, #tpu.memory_space<vmem>>
    %dma_wait3A_520 = tpu.memref_squeeze %dma_wait3A_519 : memref<1x128xi32, #tpu.memory_space<vmem>> -> memref<128xi32, #tpu.memory_space<vmem>>
    %dma_wait3A_521 = arith.constant 0 : i32
    %dma_wait3A_522 = tpu.memref_slice %arg7[%dma_wait3A_521] : memref<128xf32, #tpu.memory_space<vmem_shared>> -> memref<128xf32, #tpu.memory_space<vmem_shared>>
    tpu.wait_indirect_dma semaphore(%arg8 : memref<!tpu.dma_semaphore, #tpu.memory_space<semaphore_mem>>) src(%dma_wait3A_522 : memref<128xf32, #tpu.memory_space<vmem_shared>>) dst(%dma_wait3A_517 : memref<128xf32, #tpu.memory_space<vmem>>)
    %dma_wait3A_523 = arith.constant 20 : i32
    %dma_wait3A_524 = arith.constant 20 : i32
    %dma_wait3A_525 = arith.constant 0 : i32
    %dma_wait3A_526 = tpu.memref_slice %arg6[%dma_wait3A_524, %dma_wait3A_525] : memref<32x128xf32, #tpu.memory_space<vmem>> -> memref<1x128xf32, #tpu.memory_space<vmem>>
    %dma_wait3A_527 = tpu.memref_squeeze %dma_wait3A_526 : memref<1x128xf32, #tpu.memory_space<vmem>> -> memref<128xf32, #tpu.memory_space<vmem>>
    %dma_wait3A_528 = arith.constant 0 : i32
    %dma_wait3A_529 = tpu.memref_slice %arg5[%dma_wait3A_523, %dma_wait3A_528] : memref<32x128xi32, #tpu.memory_space<vmem>> -> memref<1x128xi32, #tpu.memory_space<vmem>>
    %dma_wait3A_530 = tpu.memref_squeeze %dma_wait3A_529 : memref<1x128xi32, #tpu.memory_space<vmem>> -> memref<128xi32, #tpu.memory_space<vmem>>
    %dma_wait3A_531 = arith.constant 0 : i32
    %dma_wait3A_532 = tpu.memref_slice %arg7[%dma_wait3A_531] : memref<128xf32, #tpu.memory_space<vmem_shared>> -> memref<128xf32, #tpu.memory_space<vmem_shared>>
    tpu.wait_indirect_dma semaphore(%arg8 : memref<!tpu.dma_semaphore, #tpu.memory_space<semaphore_mem>>) src(%dma_wait3A_532 : memref<128xf32, #tpu.memory_space<vmem_shared>>) dst(%dma_wait3A_527 : memref<128xf32, #tpu.memory_space<vmem>>)
    %dma_wait3A_533 = arith.constant 21 : i32
    %dma_wait3A_534 = arith.constant 21 : i32
    %dma_wait3A_535 = arith.constant 0 : i32
    %dma_wait3A_536 = tpu.memref_slice %arg6[%dma_wait3A_534, %dma_wait3A_535] : memref<32x128xf32, #tpu.memory_space<vmem>> -> memref<1x128xf32, #tpu.memory_space<vmem>>
    %dma_wait3A_537 = tpu.memref_squeeze %dma_wait3A_536 : memref<1x128xf32, #tpu.memory_space<vmem>> -> memref<128xf32, #tpu.memory_space<vmem>>
    %dma_wait3A_538 = arith.constant 0 : i32
    %dma_wait3A_539 = tpu.memref_slice %arg5[%dma_wait3A_533, %dma_wait3A_538] : memref<32x128xi32, #tpu.memory_space<vmem>> -> memref<1x128xi32, #tpu.memory_space<vmem>>
    %dma_wait3A_540 = tpu.memref_squeeze %dma_wait3A_539 : memref<1x128xi32, #tpu.memory_space<vmem>> -> memref<128xi32, #tpu.memory_space<vmem>>
    %dma_wait3A_541 = arith.constant 0 : i32
    %dma_wait3A_542 = tpu.memref_slice %arg7[%dma_wait3A_541] : memref<128xf32, #tpu.memory_space<vmem_shared>> -> memref<128xf32, #tpu.memory_space<vmem_shared>>
    tpu.wait_indirect_dma semaphore(%arg8 : memref<!tpu.dma_semaphore, #tpu.memory_space<semaphore_mem>>) src(%dma_wait3A_542 : memref<128xf32, #tpu.memory_space<vmem_shared>>) dst(%dma_wait3A_537 : memref<128xf32, #tpu.memory_space<vmem>>)
    %dma_wait3A_543 = arith.constant 22 : i32
    %dma_wait3A_544 = arith.constant 22 : i32
    %dma_wait3A_545 = arith.constant 0 : i32
    %dma_wait3A_546 = tpu.memref_slice %arg6[%dma_wait3A_544, %dma_wait3A_545] : memref<32x128xf32, #tpu.memory_space<vmem>> -> memref<1x128xf32, #tpu.memory_space<vmem>>
    %dma_wait3A_547 = tpu.memref_squeeze %dma_wait3A_546 : memref<1x128xf32, #tpu.memory_space<vmem>> -> memref<128xf32, #tpu.memory_space<vmem>>
    %dma_wait3A_548 = arith.constant 0 : i32
    %dma_wait3A_549 = tpu.memref_slice %arg5[%dma_wait3A_543, %dma_wait3A_548] : memref<32x128xi32, #tpu.memory_space<vmem>> -> memref<1x128xi32, #tpu.memory_space<vmem>>
    %dma_wait3A_550 = tpu.memref_squeeze %dma_wait3A_549 : memref<1x128xi32, #tpu.memory_space<vmem>> -> memref<128xi32, #tpu.memory_space<vmem>>
    %dma_wait3A_551 = arith.constant 0 : i32
    %dma_wait3A_552 = tpu.memref_slice %arg7[%dma_wait3A_551] : memref<128xf32, #tpu.memory_space<vmem_shared>> -> memref<128xf32, #tpu.memory_space<vmem_shared>>
    tpu.wait_indirect_dma semaphore(%arg8 : memref<!tpu.dma_semaphore, #tpu.memory_space<semaphore_mem>>) src(%dma_wait3A_552 : memref<128xf32, #tpu.memory_space<vmem_shared>>) dst(%dma_wait3A_547 : memref<128xf32, #tpu.memory_space<vmem>>)
    %dma_wait3A_553 = arith.constant 23 : i32
    %dma_wait3A_554 = arith.constant 23 : i32
    %dma_wait3A_555 = arith.constant 0 : i32
    %dma_wait3A_556 = tpu.memref_slice %arg6[%dma_wait3A_554, %dma_wait3A_555] : memref<32x128xf32, #tpu.memory_space<vmem>> -> memref<1x128xf32, #tpu.memory_space<vmem>>
    %dma_wait3A_557 = tpu.memref_squeeze %dma_wait3A_556 : memref<1x128xf32, #tpu.memory_space<vmem>> -> memref<128xf32, #tpu.memory_space<vmem>>
    %dma_wait3A_558 = arith.constant 0 : i32
    %dma_wait3A_559 = tpu.memref_slice %arg5[%dma_wait3A_553, %dma_wait3A_558] : memref<32x128xi32, #tpu.memory_space<vmem>> -> memref<1x128xi32, #tpu.memory_space<vmem>>
    %dma_wait3A_560 = tpu.memref_squeeze %dma_wait3A_559 : memref<1x128xi32, #tpu.memory_space<vmem>> -> memref<128xi32, #tpu.memory_space<vmem>>
    %dma_wait3A_561 = arith.constant 0 : i32
    %dma_wait3A_562 = tpu.memref_slice %arg7[%dma_wait3A_561] : memref<128xf32, #tpu.memory_space<vmem_shared>> -> memref<128xf32, #tpu.memory_space<vmem_shared>>
    tpu.wait_indirect_dma semaphore(%arg8 : memref<!tpu.dma_semaphore, #tpu.memory_space<semaphore_mem>>) src(%dma_wait3A_562 : memref<128xf32, #tpu.memory_space<vmem_shared>>) dst(%dma_wait3A_557 : memref<128xf32, #tpu.memory_space<vmem>>)
    %dma_wait3A_563 = arith.constant 24 : i32
    %dma_wait3A_564 = arith.constant 24 : i32
    %dma_wait3A_565 = arith.constant 0 : i32
    %dma_wait3A_566 = tpu.memref_slice %arg6[%dma_wait3A_564, %dma_wait3A_565] : memref<32x128xf32, #tpu.memory_space<vmem>> -> memref<1x128xf32, #tpu.memory_space<vmem>>
    %dma_wait3A_567 = tpu.memref_squeeze %dma_wait3A_566 : memref<1x128xf32, #tpu.memory_space<vmem>> -> memref<128xf32, #tpu.memory_space<vmem>>
    %dma_wait3A_568 = arith.constant 0 : i32
    %dma_wait3A_569 = tpu.memref_slice %arg5[%dma_wait3A_563, %dma_wait3A_568] : memref<32x128xi32, #tpu.memory_space<vmem>> -> memref<1x128xi32, #tpu.memory_space<vmem>>
    %dma_wait3A_570 = tpu.memref_squeeze %dma_wait3A_569 : memref<1x128xi32, #tpu.memory_space<vmem>> -> memref<128xi32, #tpu.memory_space<vmem>>
    %dma_wait3A_571 = arith.constant 0 : i32
    %dma_wait3A_572 = tpu.memref_slice %arg7[%dma_wait3A_571] : memref<128xf32, #tpu.memory_space<vmem_shared>> -> memref<128xf32, #tpu.memory_space<vmem_shared>>
    tpu.wait_indirect_dma semaphore(%arg8 : memref<!tpu.dma_semaphore, #tpu.memory_space<semaphore_mem>>) src(%dma_wait3A_572 : memref<128xf32, #tpu.memory_space<vmem_shared>>) dst(%dma_wait3A_567 : memref<128xf32, #tpu.memory_space<vmem>>)
    %dma_wait3A_573 = arith.constant 25 : i32
    %dma_wait3A_574 = arith.constant 25 : i32
    %dma_wait3A_575 = arith.constant 0 : i32
    %dma_wait3A_576 = tpu.memref_slice %arg6[%dma_wait3A_574, %dma_wait3A_575] : memref<32x128xf32, #tpu.memory_space<vmem>> -> memref<1x128xf32, #tpu.memory_space<vmem>>
    %dma_wait3A_577 = tpu.memref_squeeze %dma_wait3A_576 : memref<1x128xf32, #tpu.memory_space<vmem>> -> memref<128xf32, #tpu.memory_space<vmem>>
    %dma_wait3A_578 = arith.constant 0 : i32
    %dma_wait3A_579 = tpu.memref_slice %arg5[%dma_wait3A_573, %dma_wait3A_578] : memref<32x128xi32, #tpu.memory_space<vmem>> -> memref<1x128xi32, #tpu.memory_space<vmem>>
    %dma_wait3A_580 = tpu.memref_squeeze %dma_wait3A_579 : memref<1x128xi32, #tpu.memory_space<vmem>> -> memref<128xi32, #tpu.memory_space<vmem>>
    %dma_wait3A_581 = arith.constant 0 : i32
    %dma_wait3A_582 = tpu.memref_slice %arg7[%dma_wait3A_581] : memref<128xf32, #tpu.memory_space<vmem_shared>> -> memref<128xf32, #tpu.memory_space<vmem_shared>>
    tpu.wait_indirect_dma semaphore(%arg8 : memref<!tpu.dma_semaphore, #tpu.memory_space<semaphore_mem>>) src(%dma_wait3A_582 : memref<128xf32, #tpu.memory_space<vmem_shared>>) dst(%dma_wait3A_577 : memref<128xf32, #tpu.memory_space<vmem>>)
    %dma_wait3A_583 = arith.constant 26 : i32
    %dma_wait3A_584 = arith.constant 26 : i32
    %dma_wait3A_585 = arith.constant 0 : i32
    %dma_wait3A_586 = tpu.memref_slice %arg6[%dma_wait3A_584, %dma_wait3A_585] : memref<32x128xf32, #tpu.memory_space<vmem>> -> memref<1x128xf32, #tpu.memory_space<vmem>>
    %dma_wait3A_587 = tpu.memref_squeeze %dma_wait3A_586 : memref<1x128xf32, #tpu.memory_space<vmem>> -> memref<128xf32, #tpu.memory_space<vmem>>
    %dma_wait3A_588 = arith.constant 0 : i32
    %dma_wait3A_589 = tpu.memref_slice %arg5[%dma_wait3A_583, %dma_wait3A_588] : memref<32x128xi32, #tpu.memory_space<vmem>> -> memref<1x128xi32, #tpu.memory_space<vmem>>
    %dma_wait3A_590 = tpu.memref_squeeze %dma_wait3A_589 : memref<1x128xi32, #tpu.memory_space<vmem>> -> memref<128xi32, #tpu.memory_space<vmem>>
    %dma_wait3A_591 = arith.constant 0 : i32
    %dma_wait3A_592 = tpu.memref_slice %arg7[%dma_wait3A_591] : memref<128xf32, #tpu.memory_space<vmem_shared>> -> memref<128xf32, #tpu.memory_space<vmem_shared>>
    tpu.wait_indirect_dma semaphore(%arg8 : memref<!tpu.dma_semaphore, #tpu.memory_space<semaphore_mem>>) src(%dma_wait3A_592 : memref<128xf32, #tpu.memory_space<vmem_shared>>) dst(%dma_wait3A_587 : memref<128xf32, #tpu.memory_space<vmem>>)
    %dma_wait3A_593 = arith.constant 27 : i32
    %dma_wait3A_594 = arith.constant 27 : i32
    %dma_wait3A_595 = arith.constant 0 : i32
    %dma_wait3A_596 = tpu.memref_slice %arg6[%dma_wait3A_594, %dma_wait3A_595] : memref<32x128xf32, #tpu.memory_space<vmem>> -> memref<1x128xf32, #tpu.memory_space<vmem>>
    %dma_wait3A_597 = tpu.memref_squeeze %dma_wait3A_596 : memref<1x128xf32, #tpu.memory_space<vmem>> -> memref<128xf32, #tpu.memory_space<vmem>>
    %dma_wait3A_598 = arith.constant 0 : i32
    %dma_wait3A_599 = tpu.memref_slice %arg5[%dma_wait3A_593, %dma_wait3A_598] : memref<32x128xi32, #tpu.memory_space<vmem>> -> memref<1x128xi32, #tpu.memory_space<vmem>>
    %dma_wait3A_600 = tpu.memref_squeeze %dma_wait3A_599 : memref<1x128xi32, #tpu.memory_space<vmem>> -> memref<128xi32, #tpu.memory_space<vmem>>
    %dma_wait3A_601 = arith.constant 0 : i32
    %dma_wait3A_602 = tpu.memref_slice %arg7[%dma_wait3A_601] : memref<128xf32, #tpu.memory_space<vmem_shared>> -> memref<128xf32, #tpu.memory_space<vmem_shared>>
    tpu.wait_indirect_dma semaphore(%arg8 : memref<!tpu.dma_semaphore, #tpu.memory_space<semaphore_mem>>) src(%dma_wait3A_602 : memref<128xf32, #tpu.memory_space<vmem_shared>>) dst(%dma_wait3A_597 : memref<128xf32, #tpu.memory_space<vmem>>)
    %dma_wait3A_603 = arith.constant 28 : i32
    %dma_wait3A_604 = arith.constant 28 : i32
    %dma_wait3A_605 = arith.constant 0 : i32
    %dma_wait3A_606 = tpu.memref_slice %arg6[%dma_wait3A_604, %dma_wait3A_605] : memref<32x128xf32, #tpu.memory_space<vmem>> -> memref<1x128xf32, #tpu.memory_space<vmem>>
    %dma_wait3A_607 = tpu.memref_squeeze %dma_wait3A_606 : memref<1x128xf32, #tpu.memory_space<vmem>> -> memref<128xf32, #tpu.memory_space<vmem>>
    %dma_wait3A_608 = arith.constant 0 : i32
    %dma_wait3A_609 = tpu.memref_slice %arg5[%dma_wait3A_603, %dma_wait3A_608] : memref<32x128xi32, #tpu.memory_space<vmem>> -> memref<1x128xi32, #tpu.memory_space<vmem>>
    %dma_wait3A_610 = tpu.memref_squeeze %dma_wait3A_609 : memref<1x128xi32, #tpu.memory_space<vmem>> -> memref<128xi32, #tpu.memory_space<vmem>>
    %dma_wait3A_611 = arith.constant 0 : i32
    %dma_wait3A_612 = tpu.memref_slice %arg7[%dma_wait3A_611] : memref<128xf32, #tpu.memory_space<vmem_shared>> -> memref<128xf32, #tpu.memory_space<vmem_shared>>
    tpu.wait_indirect_dma semaphore(%arg8 : memref<!tpu.dma_semaphore, #tpu.memory_space<semaphore_mem>>) src(%dma_wait3A_612 : memref<128xf32, #tpu.memory_space<vmem_shared>>) dst(%dma_wait3A_607 : memref<128xf32, #tpu.memory_space<vmem>>)
    %dma_wait3A_613 = arith.constant 29 : i32
    %dma_wait3A_614 = arith.constant 29 : i32
    %dma_wait3A_615 = arith.constant 0 : i32
    %dma_wait3A_616 = tpu.memref_slice %arg6[%dma_wait3A_614, %dma_wait3A_615] : memref<32x128xf32, #tpu.memory_space<vmem>> -> memref<1x128xf32, #tpu.memory_space<vmem>>
    %dma_wait3A_617 = tpu.memref_squeeze %dma_wait3A_616 : memref<1x128xf32, #tpu.memory_space<vmem>> -> memref<128xf32, #tpu.memory_space<vmem>>
    %dma_wait3A_618 = arith.constant 0 : i32
    %dma_wait3A_619 = tpu.memref_slice %arg5[%dma_wait3A_613, %dma_wait3A_618] : memref<32x128xi32, #tpu.memory_space<vmem>> -> memref<1x128xi32, #tpu.memory_space<vmem>>
    %dma_wait3A_620 = tpu.memref_squeeze %dma_wait3A_619 : memref<1x128xi32, #tpu.memory_space<vmem>> -> memref<128xi32, #tpu.memory_space<vmem>>
    %dma_wait3A_621 = arith.constant 0 : i32
    %dma_wait3A_622 = tpu.memref_slice %arg7[%dma_wait3A_621] : memref<128xf32, #tpu.memory_space<vmem_shared>> -> memref<128xf32, #tpu.memory_space<vmem_shared>>
    tpu.wait_indirect_dma semaphore(%arg8 : memref<!tpu.dma_semaphore, #tpu.memory_space<semaphore_mem>>) src(%dma_wait3A_622 : memref<128xf32, #tpu.memory_space<vmem_shared>>) dst(%dma_wait3A_617 : memref<128xf32, #tpu.memory_space<vmem>>)
    %dma_wait3A_623 = arith.constant 30 : i32
    %dma_wait3A_624 = arith.constant 30 : i32
    %dma_wait3A_625 = arith.constant 0 : i32
    %dma_wait3A_626 = tpu.memref_slice %arg6[%dma_wait3A_624, %dma_wait3A_625] : memref<32x128xf32, #tpu.memory_space<vmem>> -> memref<1x128xf32, #tpu.memory_space<vmem>>
    %dma_wait3A_627 = tpu.memref_squeeze %dma_wait3A_626 : memref<1x128xf32, #tpu.memory_space<vmem>> -> memref<128xf32, #tpu.memory_space<vmem>>
    %dma_wait3A_628 = arith.constant 0 : i32
    %dma_wait3A_629 = tpu.memref_slice %arg5[%dma_wait3A_623, %dma_wait3A_628] : memref<32x128xi32, #tpu.memory_space<vmem>> -> memref<1x128xi32, #tpu.memory_space<vmem>>
    %dma_wait3A_630 = tpu.memref_squeeze %dma_wait3A_629 : memref<1x128xi32, #tpu.memory_space<vmem>> -> memref<128xi32, #tpu.memory_space<vmem>>
    %dma_wait3A_631 = arith.constant 0 : i32
    %dma_wait3A_632 = tpu.memref_slice %arg7[%dma_wait3A_631] : memref<128xf32, #tpu.memory_space<vmem_shared>> -> memref<128xf32, #tpu.memory_space<vmem_shared>>
    tpu.wait_indirect_dma semaphore(%arg8 : memref<!tpu.dma_semaphore, #tpu.memory_space<semaphore_mem>>) src(%dma_wait3A_632 : memref<128xf32, #tpu.memory_space<vmem_shared>>) dst(%dma_wait3A_627 : memref<128xf32, #tpu.memory_space<vmem>>)
    %dma_wait3A_633 = arith.constant 31 : i32
    %dma_wait3A_634 = arith.constant 31 : i32
    %dma_wait3A_635 = arith.constant 0 : i32
    %dma_wait3A_636 = tpu.memref_slice %arg6[%dma_wait3A_634, %dma_wait3A_635] : memref<32x128xf32, #tpu.memory_space<vmem>> -> memref<1x128xf32, #tpu.memory_space<vmem>>
    %dma_wait3A_637 = tpu.memref_squeeze %dma_wait3A_636 : memref<1x128xf32, #tpu.memory_space<vmem>> -> memref<128xf32, #tpu.memory_space<vmem>>
    %dma_wait3A_638 = arith.constant 0 : i32
    %dma_wait3A_639 = tpu.memref_slice %arg5[%dma_wait3A_633, %dma_wait3A_638] : memref<32x128xi32, #tpu.memory_space<vmem>> -> memref<1x128xi32, #tpu.memory_space<vmem>>
    %dma_wait3A_640 = tpu.memref_squeeze %dma_wait3A_639 : memref<1x128xi32, #tpu.memory_space<vmem>> -> memref<128xi32, #tpu.memory_space<vmem>>
    %dma_wait3A_641 = arith.constant 0 : i32
    %dma_wait3A_642 = tpu.memref_slice %arg7[%dma_wait3A_641] : memref<128xf32, #tpu.memory_space<vmem_shared>> -> memref<128xf32, #tpu.memory_space<vmem_shared>>
    tpu.wait_indirect_dma semaphore(%arg8 : memref<!tpu.dma_semaphore, #tpu.memory_space<semaphore_mem>>) src(%dma_wait3A_642 : memref<128xf32, #tpu.memory_space<vmem_shared>>) dst(%dma_wait3A_637 : memref<128xf32, #tpu.memory_space<vmem>>)
    "tpu.region"() ({
      %run_scoped3A = tpu.sem_alloc : memref<!tpu.dma_semaphore, #tpu.memory_space<semaphore_mem>>
      %dma_start3A_643 = arith.constant 0 : i32
      %dma_start3A_644 = tpu.memref_slice %arg4[%mul3A_2, %dma_start3A_643] : memref<1024x128xf32, #tpu.memory_space<hbm>> -> memref<32x128xf32, #tpu.memory_space<hbm>>
      %dma_start3A_645 = arith.constant 0 : i32
      %dma_start3A_646 = tpu.memref_slice %arg4[%mul3A_2, %dma_start3A_645] : memref<1024x128xf32, #tpu.memory_space<hbm>> -> memref<32x128xf32, #tpu.memory_space<hbm>>
      tpu.enqueue_dma source(%arg6 : memref<32x128xf32, #tpu.memory_space<vmem>>) target(%dma_start3A_646 : memref<32x128xf32, #tpu.memory_space<hbm>>) target_semaphore(%run_scoped3A : memref<!tpu.dma_semaphore, #tpu.memory_space<semaphore_mem>>)
      %dma_wait3A_647 = arith.constant 0 : i32
      %dma_wait3A_648 = tpu.memref_slice %arg4[%mul3A_2, %dma_wait3A_647] : memref<1024x128xf32, #tpu.memory_space<hbm>> -> memref<32x128xf32, #tpu.memory_space<hbm>>
      %dma_wait3A_649 = arith.constant 0 : i32
      %dma_wait3A_650 = tpu.memref_slice %arg4[%mul3A_2, %dma_wait3A_649] : memref<1024x128xf32, #tpu.memory_space<hbm>> -> memref<32x128xf32, #tpu.memory_space<hbm>>
      tpu.wait_dma2 semaphore(%run_scoped3A : memref<!tpu.dma_semaphore, #tpu.memory_space<semaphore_mem>>) src(%arg6 : memref<32x128xf32, #tpu.memory_space<vmem>>) dst(%dma_wait3A_650 : memref<32x128xf32, #tpu.memory_space<hbm>>)
      tpu.yield
    }) : () -> ()
    return
  }
}

module attributes {stable_mosaic.version = 14 : i64} {
  func.func @_tc_kernel(%arg0: i32, %arg1: memref<1024x32xf32, #tpu.memory_space<vmem>>, %arg2: memref<1024x32xf32, #tpu.memory_space<vmem>>, %arg3: memref<1024x640xf32, #tpu.memory_space<vmem>>, %arg4: memref<1024x640xf32, #tpu.memory_space<vmem>>, %arg5: memref<32x640xf32, #tpu.memory_space<vmem>>, %arg6: memref<640x32xf32, #tpu.memory_space<vmem>>, %arg7: memref<640x32xf32, #tpu.memory_space<vmem>>, %arg8: memref<1024x640xf32, #tpu.memory_space<vmem>>, %arg9: memref<1024x32xi32, #tpu.memory_space<vmem>>) attributes {dimension_semantics = [#tpu.dimension_semantics<arbitrary>], iteration_bounds = array<i64: 4>, scalar_prefetch = 0 : i64, scratch_operands = 0 : i64, tpu.core_type = #tpu.core_type<tc>, window_params = [{transform_indices = @transform_0, window_bounds = array<i64: 1024, 32>}, {transform_indices = @transform_1, window_bounds = array<i64: 1024, 32>}, {transform_indices = @transform_2, window_bounds = array<i64: 1024, 640>}, {transform_indices = @transform_3, window_bounds = array<i64: 1024, 640>}, {pipeline_mode = #tpu.pipeline_mode<synchronous>, transform_indices = @transform_4, window_bounds = array<i64: 32, 640>}, {pipeline_mode = #tpu.pipeline_mode<synchronous>, transform_indices = @transform_5, window_bounds = array<i64: 640, 32>}, {pipeline_mode = #tpu.pipeline_mode<synchronous>, transform_indices = @transform_6, window_bounds = array<i64: 640, 32>}, {transform_indices = @transform_7, window_bounds = array<i64: 1024, 640>}, {transform_indices = @transform_8, window_bounds = array<i64: 1024, 32>}]} {
    %iota3A = tpu.iota {dimensions = array<i32: 1>} : vector<1x640xi32>
    %jit3A = arith.constant 20 : i32
    %div3A = vector.broadcast %jit3A : i32 to vector<1x640xi32>
    %div3A_0 = arith.divsi %iota3A, %div3A : vector<1x640xi32>
    %sign3A = arith.constant 0 : i32
    %sign3A_1 = vector.broadcast %sign3A : i32 to vector<1x640xi32>
    %sign3A_2 = arith.cmpi sgt, %iota3A, %sign3A_1 : vector<1x640xi32>
    %sign3A_3 = arith.extui %sign3A_2 : vector<1x640xi1> to vector<1x640xi32>
    %sign3A_4 = arith.constant 0 : i32
    %sign3A_5 = vector.broadcast %sign3A_4 : i32 to vector<1x640xi32>
    %sign3A_6 = arith.cmpi slt, %iota3A, %sign3A_5 : vector<1x640xi32>
    %sign3A_7 = arith.extui %sign3A_6 : vector<1x640xi1> to vector<1x640xi32>
    %sign3A_8 = arith.subi %sign3A_3, %sign3A_7 : vector<1x640xi32>
    %sign3A_9 = arith.constant 0 : i32
    %sign3A_10 = arith.cmpi sgt, %jit3A, %sign3A_9 : i32
    %sign3A_11 = arith.extui %sign3A_10 : i1 to i32
    %sign3A_12 = arith.constant 0 : i32
    %sign3A_13 = arith.cmpi slt, %jit3A, %sign3A_12 : i32
    %sign3A_14 = arith.extui %sign3A_13 : i1 to i32
    %sign3A_15 = arith.subi %sign3A_11, %sign3A_14 : i32
    %ne3A = vector.broadcast %sign3A_15 : i32 to vector<1x640xi32>
    %ne3A_16 = arith.cmpi ne, %sign3A_8, %ne3A : vector<1x640xi32>
    %rem3A = vector.broadcast %jit3A : i32 to vector<1x640xi32>
    %rem3A_17 = arith.remsi %iota3A, %rem3A : vector<1x640xi32>
    %ne3A_18 = arith.constant 0 : i32
    %ne3A_19 = vector.broadcast %ne3A_18 : i32 to vector<1x640xi32>
    %ne3A_20 = arith.cmpi ne, %rem3A_17, %ne3A_19 : vector<1x640xi32>
    %and3A = arith.andi %ne3A_16, %ne3A_20 : vector<1x640xi1>
    %sub3A = arith.constant 1 : i32
    %sub3A_21 = vector.broadcast %sub3A : i32 to vector<1x640xi32>
    %sub3A_22 = arith.subi %div3A_0, %sub3A_21 : vector<1x640xi32>
    %select_n3A = arith.select %and3A, %sub3A_22, %div3A_0 : vector<1x640xi1>, vector<1x640xi32>
    %mul3A = arith.constant 20 : i32
    %mul3A_23 = vector.broadcast %mul3A : i32 to vector<1x640xi32>
    %mul3A_24 = arith.muli %select_n3A, %mul3A_23 : vector<1x640xi32>
    %sub3A_25 = arith.subi %iota3A, %mul3A_24 : vector<1x640xi32>
    %convert_element_type3A = arith.sitofp %sub3A_25 : vector<1x640xi32> to vector<1x640xf32>
    %get3A = arith.constant 0 : index
    %get3A_26 = arith.constant 0 : index
    %get3A_27 = vector.load %arg5[%get3A, %get3A_26] : memref<32x640xf32, #tpu.memory_space<vmem>>, vector<32x640xf32>
    %get3A_28 = arith.constant 0 : index
    %get3A_29 = arith.constant 0 : index
    %get3A_30 = vector.load %arg1[%get3A_28, %get3A_29] : memref<1024x32xf32, #tpu.memory_space<vmem>>, vector<1024x32xf32>
    %dot_general3A = arith.constant dense<0.000000e+00> : vector<1024x640xf32>
    %dot_general3A_31 = tpu.matmul %get3A_30, %get3A_27, %dot_general3A {dimension_numbers = #tpu.dot_dimension_numbers<[1], [0], [0], [1], [0, 0, 1, 1], [], []>, precision = #tpu.contract_precision<fp32>, transpose_lhs_hint = false} : vector<1024x32xf32>, vector<32x640xf32>, vector<1024x640xf32> -> vector<1024x640xf32>
    %get3A_32 = arith.constant 0 : index
    %get3A_33 = arith.constant 0 : index
    %get3A_34 = vector.load %arg2[%get3A_32, %get3A_33] : memref<1024x32xf32, #tpu.memory_space<vmem>>, vector<1024x32xf32>
    %dot_general3A_35 = arith.constant dense<0.000000e+00> : vector<1024x640xf32>
    %dot_general3A_36 = tpu.matmul %get3A_34, %get3A_27, %dot_general3A_35 {dimension_numbers = #tpu.dot_dimension_numbers<[1], [0], [0], [1], [0, 0, 1, 1], [], []>, precision = #tpu.contract_precision<fp32>, transpose_lhs_hint = false} : vector<1024x32xf32>, vector<32x640xf32>, vector<1024x640xf32> -> vector<1024x640xf32>
    %sub3A_37 = arith.constant 1.000000e+00 : f32
    %sub3A_38 = vector.broadcast %sub3A_37 : f32 to vector<1024x640xf32>
    %sub3A_39 = arith.subf %sub3A_38, %dot_general3A_36 : vector<1024x640xf32>
    %mul3A_40 = arith.constant 5.000000e-02 : f32
    %mul3A_41 = vector.broadcast %mul3A_40 : f32 to vector<1024x640xf32>
    %mul3A_42 = arith.mulf %sub3A_39, %mul3A_41 : vector<1024x640xf32>
    %eq3A = vector.broadcast %convert_element_type3A : vector<1x640xf32> to vector<1024x640xf32>
    %eq3A_43 = arith.cmpf oeq, %dot_general3A_31, %eq3A : vector<1024x640xf32>
    %add3A = arith.addf %dot_general3A_36, %mul3A_42 : vector<1024x640xf32>
    %select_n3A_44 = arith.select %eq3A_43, %add3A, %mul3A_42 : vector<1024x640xi1>, vector<1024x640xf32>
    %get3A_45 = arith.constant 0 : index
    %get3A_46 = arith.constant 0 : index
    %get3A_47 = vector.load %arg3[%get3A_45, %get3A_46] : memref<1024x640xf32, #tpu.memory_space<vmem>>, vector<1024x640xf32>
    %mul3A_48 = arith.mulf %dot_general3A_36, %get3A_47 : vector<1024x640xf32>
    %add3A_49 = arith.addf %mul3A_48, %mul3A_42 : vector<1024x640xf32>
    %mul3A_50 = arith.mulf %select_n3A_44, %add3A_49 : vector<1024x640xf32>
    %get3A_51 = arith.constant 0 : index
    %get3A_52 = arith.constant 0 : index
    %get3A_53 = vector.load %arg6[%get3A_51, %get3A_52] : memref<640x32xf32, #tpu.memory_space<vmem>>, vector<640x32xf32>
    %dot_general3A_54 = arith.constant dense<0.000000e+00> : vector<1024x32xf32>
    %dot_general3A_55 = tpu.matmul %mul3A_50, %get3A_53, %dot_general3A_54 {dimension_numbers = #tpu.dot_dimension_numbers<[1], [0], [0], [1], [0, 0, 1, 1], [], []>, precision = #tpu.contract_precision<fp32>, transpose_lhs_hint = false} : vector<1024x640xf32>, vector<640x32xf32>, vector<1024x32xf32> -> vector<1024x32xf32>
    %add3A_56 = arith.constant 9.99999993E-9 : f32
    %add3A_57 = vector.broadcast %add3A_56 : f32 to vector<1024x32xf32>
    %add3A_58 = arith.addf %dot_general3A_55, %add3A_57 : vector<1024x32xf32>
    %div3A_59 = arith.constant 1.000000e+00 : f32
    %div3A_60 = vector.broadcast %div3A_59 : f32 to vector<1024x32xf32>
    %div3A_61 = arith.divf %div3A_60, %add3A_58 : vector<1024x32xf32>
    %dot_general3A_62 = arith.constant dense<0.000000e+00> : vector<1024x640xf32>
    %dot_general3A_63 = tpu.matmul %div3A_61, %get3A_27, %dot_general3A_62 {dimension_numbers = #tpu.dot_dimension_numbers<[1], [0], [0], [1], [0, 0, 1, 1], [], []>, precision = #tpu.contract_precision<fp32>, transpose_lhs_hint = false} : vector<1024x32xf32>, vector<32x640xf32>, vector<1024x640xf32> -> vector<1024x640xf32>
    %mul3A_64 = arith.mulf %mul3A_50, %dot_general3A_63 : vector<1024x640xf32>
    %swap3A = arith.constant 0 : index
    %swap3A_65 = arith.constant 0 : index
    %swap3A_66 = vector.load %arg8[%swap3A, %swap3A_65] : memref<1024x640xf32, #tpu.memory_space<vmem>>, vector<1024x640xf32>
    tpu.vector_store %arg8[%swap3A, %swap3A_65], %mul3A_64 {strides = array<i32>} : memref<1024x640xf32, #tpu.memory_space<vmem>>, vector<1024x640xf32>,
    %add3A_67 = arith.constant 9.99999996E-13 : f32
    %add3A_68 = vector.broadcast %add3A_67 : f32 to vector<1024x640xf32>
    %add3A_69 = arith.addf %mul3A_64, %add3A_68 : vector<1024x640xf32>
    %get3A_70 = arith.constant 0 : index
    %get3A_71 = arith.constant 0 : index
    %get3A_72 = vector.load %arg4[%get3A_70, %get3A_71] : memref<1024x640xf32, #tpu.memory_space<vmem>>, vector<1024x640xf32>
    %mul3A_73 = arith.mulf %add3A_69, %get3A_72 : vector<1024x640xf32>
    %broadcast_in_dim3A = vector.shape_cast %convert_element_type3A : vector<1x640xf32> to vector<1x640xf32>
    %broadcast_in_dim3A_74 = vector.broadcast %broadcast_in_dim3A : vector<1x640xf32> to vector<1024x640xf32>
    %slice3A = vector.extract_strided_slice %mul3A_73 {offsets = [0, 1], sizes = [1024, 639], strides = [1, 1]} : vector<1024x640xf32> to vector<1024x639xf32>
    %slice3A_75 = vector.extract_strided_slice %mul3A_73 {offsets = [0, 0], sizes = [1024, 1], strides = [1, 1]} : vector<1024x640xf32> to vector<1024x1xf32>
    %concatenate3A = tpu.concatenate %slice3A, %slice3A_75 in 1 : vector<1024x639xf32>, vector<1024x1xf32> -> vector<1024x640xf32>
    %slice3A_76 = vector.extract_strided_slice %broadcast_in_dim3A_74 {offsets = [0, 1], sizes = [1024, 639], strides = [1, 1]} : vector<1024x640xf32> to vector<1024x639xf32>
    %slice3A_77 = vector.extract_strided_slice %broadcast_in_dim3A_74 {offsets = [0, 0], sizes = [1024, 1], strides = [1, 1]} : vector<1024x640xf32> to vector<1024x1xf32>
    %concatenate3A_78 = tpu.concatenate %slice3A_76, %slice3A_77 in 1 : vector<1024x639xf32>, vector<1024x1xf32> -> vector<1024x640xf32>
    %add3A_79 = arith.constant 1 : i32
    %add3A_80 = vector.broadcast %add3A_79 : i32 to vector<1x640xi32>
    %add3A_81 = arith.addi %sub3A_25, %add3A_80 : vector<1x640xi32>
    %lt3A = arith.constant 20 : i32
    %lt3A_82 = vector.broadcast %lt3A : i32 to vector<1x640xi32>
    %lt3A_83 = arith.cmpi slt, %add3A_81, %lt3A_82 : vector<1x640xi32>
    %gt3A = arith.cmpf ogt, %concatenate3A, %mul3A_73 : vector<1024x640xf32>
    %and3A_84 = vector.broadcast %lt3A_83 : vector<1x640xi1> to vector<1024x640xi1>
    %and3A_85 = arith.andi %and3A_84, %gt3A : vector<1024x640xi1>
    %select_n3A_86 = arith.select %and3A_85, %concatenate3A, %mul3A_73 : vector<1024x640xi1>, vector<1024x640xf32>
    %select_n3A_87 = arith.select %and3A_85, %concatenate3A_78, %broadcast_in_dim3A_74 : vector<1024x640xi1>, vector<1024x640xf32>
    %slice3A_88 = vector.extract_strided_slice %select_n3A_86 {offsets = [0, 2], sizes = [1024, 638], strides = [1, 1]} : vector<1024x640xf32> to vector<1024x638xf32>
    %slice3A_89 = vector.extract_strided_slice %select_n3A_86 {offsets = [0, 0], sizes = [1024, 2], strides = [1, 1]} : vector<1024x640xf32> to vector<1024x2xf32>
    %concatenate3A_90 = tpu.concatenate %slice3A_88, %slice3A_89 in 1 : vector<1024x638xf32>, vector<1024x2xf32> -> vector<1024x640xf32>
    %slice3A_91 = vector.extract_strided_slice %select_n3A_87 {offsets = [0, 2], sizes = [1024, 638], strides = [1, 1]} : vector<1024x640xf32> to vector<1024x638xf32>
    %slice3A_92 = vector.extract_strided_slice %select_n3A_87 {offsets = [0, 0], sizes = [1024, 2], strides = [1, 1]} : vector<1024x640xf32> to vector<1024x2xf32>
    %concatenate3A_93 = tpu.concatenate %slice3A_91, %slice3A_92 in 1 : vector<1024x638xf32>, vector<1024x2xf32> -> vector<1024x640xf32>
    %add3A_94 = arith.constant 2 : i32
    %add3A_95 = vector.broadcast %add3A_94 : i32 to vector<1x640xi32>
    %add3A_96 = arith.addi %sub3A_25, %add3A_95 : vector<1x640xi32>
    %lt3A_97 = arith.constant 20 : i32
    %lt3A_98 = vector.broadcast %lt3A_97 : i32 to vector<1x640xi32>
    %lt3A_99 = arith.cmpi slt, %add3A_96, %lt3A_98 : vector<1x640xi32>
    %gt3A_100 = arith.cmpf ogt, %concatenate3A_90, %select_n3A_86 : vector<1024x640xf32>
    %and3A_101 = vector.broadcast %lt3A_99 : vector<1x640xi1> to vector<1024x640xi1>
    %and3A_102 = arith.andi %and3A_101, %gt3A_100 : vector<1024x640xi1>
    %select_n3A_103 = arith.select %and3A_102, %concatenate3A_90, %select_n3A_86 : vector<1024x640xi1>, vector<1024x640xf32>
    %select_n3A_104 = arith.select %and3A_102, %concatenate3A_93, %select_n3A_87 : vector<1024x640xi1>, vector<1024x640xf32>
    %slice3A_105 = vector.extract_strided_slice %select_n3A_103 {offsets = [0, 4], sizes = [1024, 636], strides = [1, 1]} : vector<1024x640xf32> to vector<1024x636xf32>
    %slice3A_106 = vector.extract_strided_slice %select_n3A_103 {offsets = [0, 0], sizes = [1024, 4], strides = [1, 1]} : vector<1024x640xf32> to vector<1024x4xf32>
    %concatenate3A_107 = tpu.concatenate %slice3A_105, %slice3A_106 in 1 : vector<1024x636xf32>, vector<1024x4xf32> -> vector<1024x640xf32>
    %slice3A_108 = vector.extract_strided_slice %select_n3A_104 {offsets = [0, 4], sizes = [1024, 636], strides = [1, 1]} : vector<1024x640xf32> to vector<1024x636xf32>
    %slice3A_109 = vector.extract_strided_slice %select_n3A_104 {offsets = [0, 0], sizes = [1024, 4], strides = [1, 1]} : vector<1024x640xf32> to vector<1024x4xf32>
    %concatenate3A_110 = tpu.concatenate %slice3A_108, %slice3A_109 in 1 : vector<1024x636xf32>, vector<1024x4xf32> -> vector<1024x640xf32>
    %add3A_111 = arith.constant 4 : i32
    %add3A_112 = vector.broadcast %add3A_111 : i32 to vector<1x640xi32>
    %add3A_113 = arith.addi %sub3A_25, %add3A_112 : vector<1x640xi32>
    %lt3A_114 = arith.constant 20 : i32
    %lt3A_115 = vector.broadcast %lt3A_114 : i32 to vector<1x640xi32>
    %lt3A_116 = arith.cmpi slt, %add3A_113, %lt3A_115 : vector<1x640xi32>
    %gt3A_117 = arith.cmpf ogt, %concatenate3A_107, %select_n3A_103 : vector<1024x640xf32>
    %and3A_118 = vector.broadcast %lt3A_116 : vector<1x640xi1> to vector<1024x640xi1>
    %and3A_119 = arith.andi %and3A_118, %gt3A_117 : vector<1024x640xi1>
    %select_n3A_120 = arith.select %and3A_119, %concatenate3A_107, %select_n3A_103 : vector<1024x640xi1>, vector<1024x640xf32>
    %select_n3A_121 = arith.select %and3A_119, %concatenate3A_110, %select_n3A_104 : vector<1024x640xi1>, vector<1024x640xf32>
    %slice3A_122 = vector.extract_strided_slice %select_n3A_120 {offsets = [0, 8], sizes = [1024, 632], strides = [1, 1]} : vector<1024x640xf32> to vector<1024x632xf32>
    %slice3A_123 = vector.extract_strided_slice %select_n3A_120 {offsets = [0, 0], sizes = [1024, 8], strides = [1, 1]} : vector<1024x640xf32> to vector<1024x8xf32>
    %concatenate3A_124 = tpu.concatenate %slice3A_122, %slice3A_123 in 1 : vector<1024x632xf32>, vector<1024x8xf32> -> vector<1024x640xf32>
    %slice3A_125 = vector.extract_strided_slice %select_n3A_121 {offsets = [0, 8], sizes = [1024, 632], strides = [1, 1]} : vector<1024x640xf32> to vector<1024x632xf32>
    %slice3A_126 = vector.extract_strided_slice %select_n3A_121 {offsets = [0, 0], sizes = [1024, 8], strides = [1, 1]} : vector<1024x640xf32> to vector<1024x8xf32>
    %concatenate3A_127 = tpu.concatenate %slice3A_125, %slice3A_126 in 1 : vector<1024x632xf32>, vector<1024x8xf32> -> vector<1024x640xf32>
    %add3A_128 = arith.constant 8 : i32
    %add3A_129 = vector.broadcast %add3A_128 : i32 to vector<1x640xi32>
    %add3A_130 = arith.addi %sub3A_25, %add3A_129 : vector<1x640xi32>
    %lt3A_131 = arith.constant 20 : i32
    %lt3A_132 = vector.broadcast %lt3A_131 : i32 to vector<1x640xi32>
    %lt3A_133 = arith.cmpi slt, %add3A_130, %lt3A_132 : vector<1x640xi32>
    %gt3A_134 = arith.cmpf ogt, %concatenate3A_124, %select_n3A_120 : vector<1024x640xf32>
    %and3A_135 = vector.broadcast %lt3A_133 : vector<1x640xi1> to vector<1024x640xi1>
    %and3A_136 = arith.andi %and3A_135, %gt3A_134 : vector<1024x640xi1>
    %select_n3A_137 = arith.select %and3A_136, %concatenate3A_124, %select_n3A_120 : vector<1024x640xi1>, vector<1024x640xf32>
    %select_n3A_138 = arith.select %and3A_136, %concatenate3A_127, %select_n3A_121 : vector<1024x640xi1>, vector<1024x640xf32>
    %slice3A_139 = vector.extract_strided_slice %select_n3A_137 {offsets = [0, 16], sizes = [1024, 624], strides = [1, 1]} : vector<1024x640xf32> to vector<1024x624xf32>
    %slice3A_140 = vector.extract_strided_slice %select_n3A_137 {offsets = [0, 0], sizes = [1024, 16], strides = [1, 1]} : vector<1024x640xf32> to vector<1024x16xf32>
    %concatenate3A_141 = tpu.concatenate %slice3A_139, %slice3A_140 in 1 : vector<1024x624xf32>, vector<1024x16xf32> -> vector<1024x640xf32>
    %slice3A_142 = vector.extract_strided_slice %select_n3A_138 {offsets = [0, 16], sizes = [1024, 624], strides = [1, 1]} : vector<1024x640xf32> to vector<1024x624xf32>
    %slice3A_143 = vector.extract_strided_slice %select_n3A_138 {offsets = [0, 0], sizes = [1024, 16], strides = [1, 1]} : vector<1024x640xf32> to vector<1024x16xf32>
    %concatenate3A_144 = tpu.concatenate %slice3A_142, %slice3A_143 in 1 : vector<1024x624xf32>, vector<1024x16xf32> -> vector<1024x640xf32>
    %add3A_145 = arith.constant 16 : i32
    %add3A_146 = vector.broadcast %add3A_145 : i32 to vector<1x640xi32>
    %add3A_147 = arith.addi %sub3A_25, %add3A_146 : vector<1x640xi32>
    %lt3A_148 = arith.constant 20 : i32
    %lt3A_149 = vector.broadcast %lt3A_148 : i32 to vector<1x640xi32>
    %lt3A_150 = arith.cmpi slt, %add3A_147, %lt3A_149 : vector<1x640xi32>
    %gt3A_151 = arith.cmpf ogt, %concatenate3A_141, %select_n3A_137 : vector<1024x640xf32>
    %and3A_152 = vector.broadcast %lt3A_150 : vector<1x640xi1> to vector<1024x640xi1>
    %and3A_153 = arith.andi %and3A_152, %gt3A_151 : vector<1024x640xi1>
    %select_n3A_154 = arith.select %and3A_153, %concatenate3A_144, %select_n3A_138 : vector<1024x640xi1>, vector<1024x640xf32>
    %get3A_155 = arith.constant 0 : index
    %get3A_156 = arith.constant 0 : index
    %get3A_157 = vector.load %arg7[%get3A_155, %get3A_156] : memref<640x32xf32, #tpu.memory_space<vmem>>, vector<640x32xf32>
    %dot_general3A_158 = arith.constant dense<0.000000e+00> : vector<1024x32xf32>
    %dot_general3A_159 = tpu.matmul %select_n3A_154, %get3A_157, %dot_general3A_158 {dimension_numbers = #tpu.dot_dimension_numbers<[1], [0], [0], [1], [0, 0, 1, 1], [], []>, precision = #tpu.contract_precision<fp32>, transpose_lhs_hint = false} : vector<1024x640xf32>, vector<640x32xf32>, vector<1024x32xf32> -> vector<1024x32xf32>
    %convert_element_type3A_160 = arith.fptosi %dot_general3A_159 : vector<1024x32xf32> to vector<1024x32xi32>
    %swap3A_161 = arith.constant 0 : index
    %swap3A_162 = arith.constant 0 : index
    %swap3A_163 = vector.load %arg9[%swap3A_161, %swap3A_162] : memref<1024x32xi32, #tpu.memory_space<vmem>>, vector<1024x32xi32>
    tpu.vector_store %arg9[%swap3A_161, %swap3A_162], %convert_element_type3A_160 {strides = array<i32>} : memref<1024x32xi32, #tpu.memory_space<vmem>>, vector<1024x32xi32>,
    return
  }
  func.func @transform_0(%arg0: i32) -> (i32, i32) {
    %c0_i32 = arith.constant 0 : i32
    %c0_i32_0 = arith.constant 0 : i32
    return %arg0, %c0_i32 : i32, i32
  }
  func.func @transform_1(%arg0: i32) -> (i32, i32) {
    %c0_i32 = arith.constant 0 : i32
    %c0_i32_0 = arith.constant 0 : i32
    return %arg0, %c0_i32 : i32, i32
  }
  func.func @transform_2(%arg0: i32) -> (i32, i32) {
    %c0_i32 = arith.constant 0 : i32
    %c0_i32_0 = arith.constant 0 : i32
    return %arg0, %c0_i32 : i32, i32
  }
  func.func @transform_3(%arg0: i32) -> (i32, i32) {
    %c0_i32 = arith.constant 0 : i32
    %c0_i32_0 = arith.constant 0 : i32
    return %arg0, %c0_i32 : i32, i32
  }
  func.func @transform_4(%arg0: i32) -> (i32, i32) {
    %c0_i32 = arith.constant 0 : i32
    %c0_i32_0 = arith.constant 0 : i32
    %c0_i32_1 = arith.constant 0 : i32
    return %c0_i32, %c0_i32_0 : i32, i32
  }
  func.func @transform_5(%arg0: i32) -> (i32, i32) {
    %c0_i32 = arith.constant 0 : i32
    %c0_i32_0 = arith.constant 0 : i32
    %c0_i32_1 = arith.constant 0 : i32
    return %c0_i32, %c0_i32_0 : i32, i32
  }
  func.func @transform_6(%arg0: i32) -> (i32, i32) {
    %c0_i32 = arith.constant 0 : i32
    %c0_i32_0 = arith.constant 0 : i32
    %c0_i32_1 = arith.constant 0 : i32
    return %c0_i32, %c0_i32_0 : i32, i32
  }
  func.func @transform_7(%arg0: i32) -> (i32, i32) {
    %c0_i32 = arith.constant 0 : i32
    %c0_i32_0 = arith.constant 0 : i32
    return %arg0, %c0_i32 : i32, i32
  }
  func.func @transform_8(%arg0: i32) -> (i32, i32) {
    %c0_i32 = arith.constant 0 : i32
    %c0_i32_0 = arith.constant 0 : i32
    return %arg0, %c0_i32 : i32, i32
  }
}

</mosaic_0001>

<sc_bundles>
// kernel: kernel.4.cloned.1.call-start
scs
__scs_entry_jumppad:
0x0: {  	(pc) =	sbr.rel $0x88, $3  }
0x1: {  	(tag) =	ssettag $0x0;
	lr =	simm.s32 $0x1  }
0x2: {  	[smem:$0x3F9D] =	sst lr;
	_ =	strace $0xD0000000  }
0x3: {  	_ = 	snop  }
0x4: {  	_ = 	snop  }
0x5: {  	_ = 	snop  }
0x6: {  	_ = 	snop  }
0x7: {  	_ = 	snop  }
__scs_overlays_trampoline_lowered:
0x8: {  	[smem:$0x3FAC] =	sst s0  }
0x9: {  	[smem:$0x3FAD] =	sst s1  }
0xa: {  	[smem:$0x3FAE] =	sst s2  }
0xb: {  	[smem:$0x3FAF] =	sst s3  }
0xc: {  	[smem:$0x3FB0] =	sst s4  }
0xd: {  	[smem:$0x3FB1] =	sst s5  }
0xe: {  	[smem:$0x3FB2] =	sst s6  }
0xf: {  	[smem:$0x3FB3] =	sst s7  }
0x10: {  	[smem:$0x3FB4] =	sst s8  }
0x11: {  	[smem:$0x3FB5] =	sst s9;
	s0 =	simm.s32 @!p0 $0x0  }
0x12: {  	s1 =	sld [smem:$0x3F9B];
	s0 =	simm.s32 @p0 $0x1  }
0x13: {  	[smem:$0x3FB6] =	sst s0;
	s0 =	simm.s32 @!p1 $0x0  }
0x14: {  	s2 =	sld [smem:$0x3F9A];
	s0 =	simm.s32 @p1 $0x1  }
0x15: {  	[smem:$0x3FB7] =	sst s0;
	s0 =	simm.s32 @!p2 $0x0  }
0x16: {  	s3 =	sld [smem:$0x3FDB];
	s0 =	simm.s32 @p2 $0x1  }
0x17: {  	s4 =	simm.s32 $0x1BF5;
	[smem:$0x3FB9] =	sst s0  }
0x18: {  	s0 =	sld [smem:$0x3F9C];
	_ =	swait.ge [sflag:s4], $0x0  }
0x19: {  	s7 =	sld [smem:$0x3F9D]  }
0x1a: {  	s8 =	sadd.s32 $0xFFFFE003, lr  }
0x1b: {  	s9 =	sadd.s32 $0xFFFFFEF7, lr;
	s5 =	simm.s32 $0xFFFFFFFF;
	p2 =	slt.u32 s8, $0xFFFFF086  }
0x1c: {  	p1 =	slt.u32 s9, $0xF7A;
	s5 =	simm.s32 @!p2 $0x0  }
0x1d: {  	s5 =	simm.s32 @p1 $0x1;
	p0 =	seq.s32 s7, s2  }
0x1e: {  	s7 =	smul.u32 @!p0 $0xF7A, s2;
	p2 =	seq.s32 @!p0 s5, $0x0  }
0x1f: {  	s9 =	smul.u32 $0xF7A, s1;
	s8 =	simm.s32 @!p0 $0x1BF5;
	p2 =	por !p2, p0  }
0x20: {  	[sflag:s8] =	ssyncset.s32 @!p0 $0xFFFFF086;
	s6 =	sadd.s32 @!p0 s3, s7;
	s7 =	simm.s32 @!p0 $0x108  }
0x21: {  	s3 =	sadd.s32 s3, s9;
	s6 =	sadd.s32 @!p0 $0x88, s6;
	s7 =	simm.s32 @p2 $0x1082  }
0x22: {  	[simem:s7], [sflag:s8] =	dma.local @!p0 [hbm:s6], $0xF7A  }
0x23: {  	s9 =	sor.u32 $0xD0000000, s2;
	s6 =	simm.s32 $0x108;
	_ =	swait.ge @!p0 [sflag:s8], $0x0  }
0x24: {  	s3 =	sadd.s32 $0x88, s3;
	s6 =	simm.s32 @!p1 $0x1082;
	[sflag:s4] =	ssyncset.s32 $0xFFFFF086  }
0x25: {  	[simem:s6], [sflag:s4] =	dma.local [hbm:s3], $0xF7A  }
0x26: {  	[smem:$0x3F9D] =	sst s1;
	(tag) =	ssettag s2;
	_ =	strace s9  }
0x27: {  	s1 =	sld [smem:$0x3FAD]  }
0x28: {  	s2 =	sld [smem:$0x3FAE]  }
0x29: {  	s4 =	sld [smem:$0x3FB0]  }
0x2a: {  	p0 =	seq.s32 s5, $0x0;
	s5 =	sld [smem:$0x3FB1]  }
0x2b: {  	s6 =	sld [smem:$0x3FB2]  }
0x2c: {  	s7 =	sld [smem:$0x3FB3]  }
0x2d: {  	s3 =	simm.s32 $0x108;
	s8 =	sld [smem:$0x3FB4]  }
0x2e: {  	s3 =	simm.s32 @!p0 $0x1082;
	s9 =	sld [smem:$0x3FB5]  }
0x2f: {  	lr =	sadd.s32 s0, s3;
	s0 =	sld [smem:$0x3FAC]  }
0x30: {  	s3 =	sld [smem:$0x3FAF]  }
0x31: {  	[smem:$0x3FB8] =	sst s10  }
0x32: {  	s10 =	sld [smem:$0x3FB6];
	_ =	sdelay $0x3  }
0x33: {  	p0 =	seq.s32 s10, $0x1;
	s10 =	sld [smem:$0x3FB8];
	_ =	sdelay $0x3  }
0x34: {  	[smem:$0x3FB8] =	sst s10  }
0x35: {  	s10 =	sld [smem:$0x3FB7];
	_ =	sdelay $0x3  }
0x36: {  	p1 =	seq.s32 s10, $0x1;
	s10 =	sld [smem:$0x3FB8];
	_ =	sdelay $0x3  }
0x37: {  	[smem:$0x3FB8] =	sst s10  }
0x38: {  	s10 =	sld [smem:$0x3FB9]  }
0x39: {  	_ = 	snop;
	(pc) =	sbr.ind lr, $3  }
0x3a: {  	_ = 	snop  }
0x3b: {  	_ = 	snop  }
0x3c: {  	p2 =	seq.s32 s10, $0x1;
	s10 =	sld [smem:$0x3FB8]  }
0x3d: {  	_ =	shalt  }
0x3e: {  	_ =	shalt  }
0x3f: {  	_ =	shalt  }
0x40: {  	_ =	shalt  }
0x41: {  	_ =	shalt  }
0x42: {  	_ =	shalt  }
0x43: {  	_ =	shalt  }
0x44: {  	_ =	shalt  }
0x45: {  	_ =	shalt  }
0x46: {  	_ =	shalt  }
0x47: {  	_ =	shalt  }
0x48: {  	_ =	shalt  }
0x49: {  	_ =	shalt  }
0x4a: {  	_ =	shalt  }
0x4b: {  	_ =	shalt  }
0x4c: {  	_ =	shalt  }
0x4d: {  	_ =	shalt  }
0x4e: {  	_ =	shalt  }
0x4f: {  	_ =	shalt  }
0x50: {  	_ =	shalt  }
0x51: {  	_ =	shalt  }
0x52: {  	_ =	shalt  }
0x53: {  	_ =	shalt  }
0x54: {  	_ =	shalt  }
0x55: {  	_ =	shalt  }
0x56: {  	_ =	shalt  }
0x57: {  	_ =	shalt  }
0x58: {  	_ =	shalt  }
0x59: {  	_ =	shalt  }
0x5a: {  	_ =	shalt  }
0x5b: {  	_ =	shalt  }
0x5c: {  	_ =	shalt  }
0x5d: {  	_ =	shalt  }
0x5e: {  	_ =	shalt  }
0x5f: {  	_ =	shalt  }
0x60: {  	_ =	shalt  }
0x61: {  	_ =	shalt  }
0x62: {  	_ =	shalt  }
0x63: {  	_ =	shalt  }
0x64: {  	_ =	shalt  }
0x65: {  	_ =	shalt  }
0x66: {  	_ =	shalt  }
0x67: {  	_ =	shalt  }
0x68: {  	_ =	shalt  }
0x69: {  	_ =	shalt  }
0x6a: {  	_ =	shalt  }
0x6b: {  	_ =	shalt  }
0x6c: {  	_ =	shalt  }
0x6d: {  	_ =	shalt  }
0x6e: {  	_ =	shalt  }
0x6f: {  	_ =	shalt  }
0x70: {  	_ =	shalt  }
0x71: {  	_ =	shalt  }
0x72: {  	_ =	shalt  }
0x73: {  	_ =	shalt  }
0x74: {  	_ =	shalt  }
0x75: {  	_ =	shalt  }
0x76: {  	_ =	shalt  }
0x77: {  	_ =	shalt  }
0x78: {  	_ =	shalt  }
0x79: {  	_ =	shalt  }
0x7a: {  	_ =	shalt  }
0x7b: {  	_ =	shalt  }
0x7c: {  	_ =	shalt  }
0x7d: {  	_ =	shalt  }
0x7e: {  	_ =	shalt  }
0x7f: {  	_ =	shalt  }
0x80: {  	_ =	shalt  }
0x81: {  	_ =	shalt  }
0x82: {  	_ =	shalt  }
0x83: {  	_ =	shalt  }
0x84: {  	_ =	shalt  }
0x85: {  	_ =	shalt  }
0x86: {  	_ =	shalt  }
0x87: {  	_ =	shalt  }
.Lfunc_end0:
.L_simem_size_0:
called_computation_lowered:
.L_overlay_start_0:
0x88: {  	s2 =	sld [smem:$0x3FD9]  }
0x89: {  	s3 =	sld [smem:$0x3FFE];
	_ =	sdelay $0x1  }
0x8a: {  	s1 =	srdreg.scid  }
0x8b: {  	s0 =	sand.u32 $0x1, s1  }
0x8c: {  	s14 =	sshll.u32 s0, $0xA;
	s2 =	sadd.s32 s3, s2  }
0x8d: {  	s2 =	sadd.s32 s2, s14  }
0x8e: {  	[smem:$0x3FC4] =	sst s2  }
0x8f: {  	_ = 	snop  }
0x90: {  	s2 =	sld [smem:$0x3FD0];
	_ =	sdelay $0x2  }
0x91: {  	s4 =	simm.s32 $0xA;
	s5 =	simm.s32 $0x10;
	s15 =	sld [smem:$0x3FC7]  }
0x92: {  	[smem:s5], [sflag:s4] =	dma.local [hbm:s2], $0x1  }
0x93: {  	_ =	swait.eq [sflag:s4], $0x1  }
0x94: {  	[sflag:s4] =	ssyncset.done $0x0  }
0x95: {  	[sflag:s4] =	ssyncadd.s32 $0xFFFFFFFF  }
0x96: {  	s16 =	sld [smem:$0x11];
	(tm) =	ssettm $0x1  }
0x97: {  	s17 =	sld [smem:$0x3FFB];
	_ =	sdelay $0x3  }
0x98: {  	_ =	strace s17  }
0x99: {  	s4 =	sld [smem:$0x3FFC];
	_ =	sdelay $0x3  }
0x9a: {  	_ =	strace s4  }
0x9b: {  	s4 =	sld [smem:$0x3FFD];
	_ =	sdelay $0x3  }
0x9c: {  	_ =	strace s4  }
0x9d: {  	_ =	strace $0x8FFFFFFF  }
0x9e: {  	s18 =	sld [smem:$0x3FDB];
	_ =	sdelay $0x1  }
0x9f: {  	s19 =	simm.s32 $_scs_section_size  }
0xa0: {  	s6 =	simm.s32 $_size__tile_overlayer_lowered;
	s7 =	simm.s32 $_tile_overlayer_lowered  }
0xa1: {  	s22 =	simm.s32 $0x1BFF;
	s21 =	sshll.u32 s7, $0x1;
	s4 =	sadd.s32 s19, s18  }
0xa2: {  	s8 =	simm.s32 $0x0;
	s20 =	sshll.u32 s6, $0x1;
	s6 =	sadd.s32 s21, s4  }
0xa3: {  	[timem:s8], [sflag:s22] =	dma.local [hbm:s6], s20  }
0xa4: {  	_ =	swait.ge [sflag:s22], s20  }
0xa5: {  	s5 =	ssub.s32 $0x0, s20;
	[sflag:s22] =	ssyncset.done $0x0  }
0xa6: {  	[sflag:s22] =	ssyncadd.s32 s5;
	_ =	sdelay $0x1  }
0xa7: {  	s23 =	simm.s32 $0x1B8B  }
0xa8: {  	_ =	swait.ge [sflag:s23], $0x1  }
0xa9: {  	[sflag:s23] =	ssyncset.done $0x0  }
0xaa: {  	s25 =	simm.s32 $0x1B8E;
	s24 =	sld [smem:$0x3FFE];
	[sflag:s23] =	ssyncadd.s32 $0xFFFFFFFF  }
0xab: {  	s26 =	simm.s32 $execute0_lowered;
	[smem:$0x3FD2] =	sst s25  }
0xac: {  	s6 =	sshll.u32 s26, $0x1;
	_ =	strace $0x80000046;
	[dreg:$0x1] =	wrdreg $0xFFFFFFFF  }
0xad: {  	s28 =	simm.s32 $_size_execute0_lowered;
	s4 =	sadd.s32 s4, s6;
	[dreg:$0x0] =	wrdreg $0x0  }
0xae: {  	s6 =	sshll.u32 s28, $0x1;
	[dreg:$0x2] =	wrdreg s4  }
0xaf: {  	[dreg:$0x3] =	wrdreg s6  }
0xb0: {  	[dreg:$0x4] =	wrdreg $0xC0  }
0xb1: {  	_ =	task [dreg:s8], $0x5FFFF  }
0xb2: {  	[dreg:$0x1] =	wrdreg $0xFFFFFFFF  }
0xb3: {  	[dreg:$0x0] =	wrdreg $0x60  }
0xb4: {  	[dreg:$0x2] =	wrdreg s15  }
0xb5: {  	[dreg:$0x3] =	wrdreg s24  }
0xb6: {  	[dreg:$0x4] =	wrdreg s16  }
0xb7: {  	[dreg:$0x5] =	wrdreg $0x20000  }
0xb8: {  	[dreg:$0x6] =	wrdreg $0x9  }
0xb9: {  	_ =	task.clear_ibuf [dreg:s8], $0x7FFFF;
	_ =	strace $0x90000046  }
0xba: {  	s29 =	simm.s32 $0x9;
	_ =	strace $0x80000048  }
0xbb: {  	_ =	swait.ge [sflag:s29], $0x1  }
0xbc: {  	[sflag:s29] =	ssyncadd.s32 $0xFFFFFFFF  }
0xbd: {  	_ =	strace $0x90000048  }
0xbe: {  	_ =	sfence  }
0xbf: {  	s30 =	sld [smem:$0x0];
	_ =	sdelay $0x2  }
0xc0: {  	s31 =	sshll.u32 s1, $0xD;
	s1 =	sshrl.u32 s1, $0x2  }
0xc1: {  	s3 =	sand.u32 $0x4000, s31;
	s1 =	sadd.s32 s1, s30  }
0xc2: {  	s0 =	sor.u32 s3, s0;
	s1 =	sshll.u32 s1, $0x11  }
0xc3: {  	s0 =	sor.u32 s1, s0  }
0xc4: {  	s0 =	sadd.s32 $0x8F2B, s0  }
0xc5: {  	[sflag:s0] =	ssyncadd.remote.s32 $0x1  }
0xc6: {  	_ =	sfence.sel $0xFFFF  }
0xc7: {  	[dreg:$0x0] =	wrdreg $0xFFFFFFFF;
	(pc) =	sbr.abs _section_cstart, $3  }
0xc8: {  	[dreg:$0x1] =	wrdreg $0xFFFFFFFF  }
0xc9: {  	_ =	task.clear_ibuf [dreg:s8], $0x2FFFF;
	_ =	strace $0x9FFFFFFF  }
0xca: {  	(tm) =	ssettm $0x7FFFFFFF  }
0xcb: {  	_ =	shalt  }
tec
execute0_lowered:
.L_overlay_start_1:
0x0: {  	(tag) =	ssettag $0x1  }
0x1: {  	s0 =	rddreg [dreg:$0x0]  }
0x2: {  	s3 =	rddreg [dreg:$0x1]  }
0x3: {  	s4 =	rddreg [dreg:$0x2]  }
0x4: {  	s2 =	rddreg [dreg:$0x3];
	s1 =	simm.s32 $0x0  }
0x5: {  	[smem:$0x7FF] =	sst s1;
	s3 =	sadd.s32 $0xC00, s3  }
0x6: {  	s8 =	simm.s32 $0x100;
	_ =	strace $0x80000047;
	[dreg:$0x5] =	wrdreg s3  }
0x7: {  	s9 =	simm.s32 $0x1100;
	[dreg:$0xa] =	wrdreg s8  }
0x8: {  	s10 =	simm.s32 $0x180;
	[dreg:$0xb] =	wrdreg s9  }
0x9: {  	s11 =	simm.s32 $0x1180;
	[dreg:$0xc] =	wrdreg s10  }
0xa: {  	s12 =	simm.s32 $0x200;
	[dreg:$0xd] =	wrdreg s11  }
0xb: {  	s13 =	simm.s32 $0x1200;
	[dreg:$0xe] =	wrdreg s12  }
0xc: {  	s14 =	simm.s32 $0x280;
	[dreg:$0xf] =	wrdreg s13  }
0xd: {  	s15 =	simm.s32 $0x1280;
	[dreg:$0x10] =	wrdreg s14  }
0xe: {  	s16 =	simm.s32 $0x300;
	[dreg:$0x11] =	wrdreg s15  }
0xf: {  	s17 =	simm.s32 $0x1300;
	[dreg:$0x12] =	wrdreg s16  }
0x10: {  	s18 =	simm.s32 $0x380;
	[dreg:$0x13] =	wrdreg s17  }
0x11: {  	s19 =	simm.s32 $0x1380;
	[dreg:$0x14] =	wrdreg s18  }
0x12: {  	s20 =	simm.s32 $0x400;
	[dreg:$0x15] =	wrdreg s19  }
0x13: {  	s21 =	simm.s32 $0x1400;
	[dreg:$0x16] =	wrdreg s20  }
0x14: {  	s22 =	simm.s32 $0x480;
	[dreg:$0x17] =	wrdreg s21  }
0x15: {  	s23 =	simm.s32 $0x1480;
	[dreg:$0x18] =	wrdreg s22  }
0x16: {  	s24 =	simm.s32 $0x500;
	[dreg:$0x19] =	wrdreg s23  }
0x17: {  	s6 =	stileid.u32;
	s25 =	simm.s32 $0x1500;
	[dreg:$0x1a] =	wrdreg s24  }
0x18: {  	s26 =	simm.s32 $0x580;
	s28 =	sshll.u32 s6, $0xA;
	[dreg:$0x1b] =	wrdreg s25  }
0x19: {  	p0 =	sne.s32 s6, $0x0;
	s6 =	simm.s32 $0x1680;
	[dreg:$0x1c] =	wrdreg s26  }
0x1a: {  	s3 =	simm.s32 $0x600;
	[smem:$0x7F4] =	sst s6  }
0x1b: {  	s8 =	simm.s32 $0x1700;
	[dreg:$0x1e] =	wrdreg s3  }
0x1c: {  	s9 =	simm.s32 $0x780;
	[smem:$0x7F3] =	sst s8  }
0x1d: {  	s10 =	simm.s32 $0x1780;
	[smem:$0x7F7] =	sst s9  }
0x1e: {  	s11 =	simm.s32 $0x800;
	[smem:$0x7F2] =	sst s10  }
0x1f: {  	s12 =	simm.s32 $0x1800;
	[smem:$0x7F8] =	sst s11  }
0x20: {  	s13 =	simm.s32 $0x880;
	[smem:$0x7F1] =	sst s12  }
0x21: {  	s14 =	simm.s32 $0x1880;
	[smem:$0x7F9] =	sst s13  }
0x22: {  	s15 =	simm.s32 $0x900;
	[smem:$0x7F0] =	sst s14  }
0x23: {  	s16 =	simm.s32 $0x1900;
	[smem:$0x7FA] =	sst s15  }
0x24: {  	s17 =	simm.s32 $0x980;
	[smem:$0x7EE] =	sst s16  }
0x25: {  	s18 =	simm.s32 $0x1980;
	[smem:$0x7FB] =	sst s17  }
0x26: {  	s5 =	srdreg.scid;
	s19 =	simm.s32 $0xA00;
	[smem:$0x7EF] =	sst s18  }
0x27: {  	s31 =	sand.u32 $0x1, s5;
	s20 =	simm.s32 $0x1A00;
	[smem:$0x7FC] =	sst s19  }
0x28: {  	s7 =	sshll.u32 s31, $0x9;
	s21 =	simm.s32 $0xA80;
	[smem:$0x7ED] =	sst s20  }
0x29: {  	s5 =	sor.u32 s7, s28;
	s7 =	simm.s32 $0x1080;
	[smem:$0x7FD] =	sst s21  }
0x2a: {  	s28 =	simm.s32 $0x1580;
	[dreg:$0x9] =	wrdreg s7  }
0x2b: {  	s0 =	sadd.s32 s0, s5;
	[dreg:$0x1d] =	wrdreg s28  }
0x2c: {  	s5 =	sadd.s32 s4, s5;
	[dreg:$0x6] =	wrdreg s0  }
0x2d: {  	s4 =	simm.s32 $0x1600;
	[dreg:$0x7] =	wrdreg s5  }
0x2e: {  	s7 =	simm.s32 $0x700;
	[dreg:$0x1f] =	wrdreg s4  }
0x2f: {  	s0 =	sshrl.u32 @!p0 s2, $0x3;
	[smem:$0x7F6] =	sst s7  }
0x30: {  	s5 =	simm.s32 $0x680;
	[dreg:$0x8] =	wrdreg s0  }
0x31: {  	[smem:$0x7F5] =	sst s5  }
0x32: {  	s0 =	rddreg [dreg:$0x5]  }
0x33: {  	s6 =	simm.s32 @!p0 $0x2;
	s3 =	simm.s32 @!p0 $0x1C02;
	s4 =	rddreg [dreg:$0x8]  }
0x34: {  	[spmem:s4], [sflag:s3] =	dma.local @!p0 [hbm:s0], $0x10  }
0x35: {  	_ =	swait.ge @!p0 [sflag:s6], $0x10  }
0x36: {  	[sflag:s6] =	ssyncset.done @!p0 $0x0  }
0x37: {  	[sflag:s6] =	ssyncadd.s32 @!p0 $0xFFFFFFF0  }
0x38: {  	[bflag:$0x0] =	sbarrier.arrive $0xFFFF  }
0x39: {  	s3 =	simm.s32 $0x2;
	s22 =	rddreg [dreg:$0x6]  }
0x3a: {  	[tilespmem:s1], [sflag:$0x2] =	stream.linear.gather [hbm4b:s22+s1], $0x1000, $0x38;
	[tilespmem:$0x2008] =	vst v63  }
0x3b: {  	_ =	swait.ge [sflag:s3], $0x1000  }
0x3c: {  	s0 =	rddreg [dreg:$0x13]  }
0x3d: {  	s5 =	sld [smem:$0x7ED]  }
0x3e: {  	s8 =	sld [smem:$0x7EE]  }
0x3f: {  	s9 =	sld [smem:$0x7EF]  }
0x40: {  	s10 =	rddreg [dreg:$0x14]  }
0x41: {  	s11 =	sld [smem:$0x7F0]  }
0x42: {  	s12 =	rddreg [dreg:$0x11]  }
0x43: {  	s13 =	sld [smem:$0x7F1]  }
0x44: {  	s14 =	rddreg [dreg:$0x10]  }
0x45: {  	s15 =	sld [smem:$0x7F2]  }
0x46: {  	s16 =	rddreg [dreg:$0x12]  }
0x47: {  	s17 =	sld [smem:$0x7F3]  }
0x48: {  	s18 =	rddreg [dreg:$0x15]  }
0x49: {  	s19 =	rddreg [dreg:$0xa]  }
0x4a: {  	s20 =	rddreg [dreg:$0x9]  }
0x4b: {  	s21 =	rddreg [dreg:$0xb]  }
0x4c: {  	s22 =	rddreg [dreg:$0xc]  }
0x4d: {  	s23 =	rddreg [dreg:$0xd]  }
0x4e: {  	s7 =	simm.s32 $0x80;
	[sflag:s3] =	ssyncset.done $0x0;
	s24 =	rddreg [dreg:$0xf]  }
0x4f: {  	s4 =	simm.s32 $0x1000;
	s25 =	rddreg [dreg:$0xe];
	[sflag:s3] =	ssyncadd.s32 $0xFFFFF000  }
0x50: {  	[tilespmem:s4], [sflag:$0x1] =	stream.indirect.gather [spmem:s2], $0x1, s1, s7, $0xb8;
	[tilespmem:$0x2008] =	vst v63  }
0x51: {  	s26 =	rddreg [dreg:$0x17]  }
0x52: {  	[tilespmem:s20], [sflag:$0x1] =	stream.indirect.gather [spmem:s2], $0x1, s7, s7, $0xb8;
	[tilespmem:$0x2008] =	vst v63  }
0x53: {  	s28 =	rddreg [dreg:$0x18]  }
0x54: {  	[tilespmem:s21], [sflag:$0x1] =	stream.indirect.gather [spmem:s2], $0x1, s19, s7, $0xb8;
	[tilespmem:$0x2008] =	vst v63  }
0x55: {  	s20 =	sld [smem:$0x7F4]  }
0x56: {  	[tilespmem:s23], [sflag:$0x1] =	stream.indirect.gather [spmem:s2], $0x1, s22, s7, $0xb8;
	[tilespmem:$0x2008] =	vst v63  }
0x57: {  	s21 =	rddreg [dreg:$0x1f]  }
0x58: {  	[tilespmem:s24], [sflag:$0x1] =	stream.indirect.gather [spmem:s2], $0x1, s25, s7, $0xb8;
	[tilespmem:$0x2008] =	vst v63  }
0x59: {  	s23 =	rddreg [dreg:$0x1b]  }
0x5a: {  	[tilespmem:s12], [sflag:$0x1] =	stream.indirect.gather [spmem:s2], $0x1, s14, s7, $0xb8;
	[tilespmem:$0x2008] =	vst v63  }
0x5b: {  	s24 =	rddreg [dreg:$0x16]  }
0x5c: {  	[tilespmem:s0], [sflag:$0x1] =	stream.indirect.gather [spmem:s2], $0x1, s16, s7, $0xb8;
	[tilespmem:$0x2008] =	vst v63  }
0x5d: {  	s25 =	rddreg [dreg:$0x19]  }
0x5e: {  	[tilespmem:s18], [sflag:$0x1] =	stream.indirect.gather [spmem:s2], $0x1, s10, s7, $0xb8;
	[tilespmem:$0x2008] =	vst v63  }
0x5f: {  	s12 =	rddreg [dreg:$0x1d]  }
0x60: {  	[tilespmem:s26], [sflag:$0x1] =	stream.indirect.gather [spmem:s2], $0x1, s24, s7, $0xb8;
	[tilespmem:$0x2008] =	vst v63  }
0x61: {  	s16 =	rddreg [dreg:$0x1e]  }
0x62: {  	[tilespmem:s25], [sflag:$0x1] =	stream.indirect.gather [spmem:s2], $0x1, s28, s7, $0xb8;
	[tilespmem:$0x2008] =	vst v63  }
0x63: {  	s26 =	rddreg [dreg:$0x1a]  }
0x64: {  	[tilespmem:s23], [sflag:$0x1] =	stream.indirect.gather [spmem:s2], $0x1, s26, s7, $0xb8;
	[tilespmem:$0x2008] =	vst v63  }
0x65: {  	s28 =	rddreg [dreg:$0x1c]  }
0x66: {  	[tilespmem:s12], [sflag:$0x1] =	stream.indirect.gather [spmem:s2], $0x1, s28, s7, $0xb8;
	[tilespmem:$0x2008] =	vst v63  }
0x67: {  	s18 =	sld [smem:$0x7F5]  }
0x68: {  	[tilespmem:s21], [sflag:$0x1] =	stream.indirect.gather [spmem:s2], $0x1, s16, s7, $0xb8;
	[tilespmem:$0x2008] =	vst v63  }
0x69: {  	s19 =	sld [smem:$0x7F6]  }
0x6a: {  	[tilespmem:s20], [sflag:$0x1] =	stream.indirect.gather [spmem:s2], $0x1, s18, s7, $0xb8;
	[tilespmem:$0x2008] =	vst v63  }
0x6b: {  	s21 =	sld [smem:$0x7F7]  }
0x6c: {  	[tilespmem:s17], [sflag:$0x1] =	stream.indirect.gather [spmem:s2], $0x1, s19, s7, $0xb8;
	[tilespmem:$0x2008] =	vst v63  }
0x6d: {  	s22 =	sld [smem:$0x7F8]  }
0x6e: {  	[tilespmem:s15], [sflag:$0x1] =	stream.indirect.gather [spmem:s2], $0x1, s21, s7, $0xb8;
	[tilespmem:$0x2008] =	vst v63  }
0x6f: {  	s23 =	sld [smem:$0x7F9]  }
0x70: {  	[tilespmem:s13], [sflag:$0x1] =	stream.indirect.gather [spmem:s2], $0x1, s22, s7, $0xb8;
	[tilespmem:$0x2008] =	vst v63  }
0x71: {  	s24 =	sld [smem:$0x7FA]  }
0x72: {  	[tilespmem:s11], [sflag:$0x1] =	stream.indirect.gather [spmem:s2], $0x1, s23, s7, $0xb8;
	[tilespmem:$0x2008] =	vst v63  }
0x73: {  	s25 =	sld [smem:$0x7FB]  }
0x74: {  	[tilespmem:s8], [sflag:$0x1] =	stream.indirect.gather [spmem:s2], $0x1, s24, s7, $0xb8;
	[tilespmem:$0x2008] =	vst v63  }
0x75: {  	s26 =	sld [smem:$0x7FC]  }
0x76: {  	[tilespmem:s9], [sflag:$0x1] =	stream.indirect.gather [spmem:s2], $0x1, s25, s7, $0xb8;
	[tilespmem:$0x2008] =	vst v63  }
0x77: {  	s28 =	sld [smem:$0x7FD]  }
0x78: {  	[tilespmem:s5], [sflag:$0x1] =	stream.indirect.gather [spmem:s2], $0x1, s26, s7, $0xb8;
	[tilespmem:$0x2008] =	vst v63  }
0x79: {  	s5 =	simm.s32 $0x1A80  }
0x7a: {  	[tilespmem:s5], [sflag:$0x1] =	stream.indirect.gather [spmem:s2], $0x1, s28, s7, $0xb8;
	[tilespmem:$0x2008] =	vst v63  }
0x7b: {  	s8 =	simm.s32 $0xB00;
	s9 =	simm.s32 $0x1B00  }
0x7c: {  	[tilespmem:s9], [sflag:$0x1] =	stream.indirect.gather [spmem:s2], $0x1, s8, s7, $0xb8;
	[tilespmem:$0x2008] =	vst v63  }
0x7d: {  	s10 =	simm.s32 $0xB80;
	s11 =	simm.s32 $0x1B80  }
0x7e: {  	[tilespmem:s11], [sflag:$0x1] =	stream.indirect.gather [spmem:s2], $0x1, s10, s7, $0xb8;
	[tilespmem:$0x2008] =	vst v63  }
0x7f: {  	s12 =	simm.s32 $0xC00;
	s13 =	simm.s32 $0x1C00  }
0x80: {  	[tilespmem:s13], [sflag:$0x1] =	stream.indirect.gather [spmem:s2], $0x1, s12, s7, $0xb8;
	[tilespmem:$0x2008] =	vst v63  }
0x81: {  	s14 =	simm.s32 $0xC80;
	s15 =	simm.s32 $0x1C80  }
0x82: {  	[tilespmem:s15], [sflag:$0x1] =	stream.indirect.gather [spmem:s2], $0x1, s14, s7, $0xb8;
	[tilespmem:$0x2008] =	vst v63  }
0x83: {  	s16 =	simm.s32 $0xD00;
	s17 =	simm.s32 $0x1D00  }
0x84: {  	[tilespmem:s17], [sflag:$0x1] =	stream.indirect.gather [spmem:s2], $0x1, s16, s7, $0xb8;
	[tilespmem:$0x2008] =	vst v63  }
0x85: {  	s18 =	simm.s32 $0xD80;
	s19 =	simm.s32 $0x1D80  }
0x86: {  	[tilespmem:s19], [sflag:$0x1] =	stream.indirect.gather [spmem:s2], $0x1, s18, s7, $0xb8;
	[tilespmem:$0x2008] =	vst v63  }
0x87: {  	s20 =	simm.s32 $0xE00;
	s21 =	simm.s32 $0x1E00  }
0x88: {  	[tilespmem:s21], [sflag:$0x1] =	stream.indirect.gather [spmem:s2], $0x1, s20, s7, $0xb8;
	[tilespmem:$0x2008] =	vst v63  }
0x89: {  	s22 =	simm.s32 $0xE80;
	s23 =	simm.s32 $0x1E80  }
0x8a: {  	[tilespmem:s23], [sflag:$0x1] =	stream.indirect.gather [spmem:s2], $0x1, s22, s7, $0xb8;
	[tilespmem:$0x2008] =	vst v63  }
0x8b: {  	s24 =	simm.s32 $0xF00;
	s25 =	simm.s32 $0x1F00  }
0x8c: {  	[tilespmem:s25], [sflag:$0x1] =	stream.indirect.gather [spmem:s2], $0x1, s24, s7, $0xb8;
	[tilespmem:$0x2008] =	vst v63  }
0x8d: {  	s29 =	simm.s32 $0xF80;
	s30 =	simm.s32 $0x1F80;
	s19 =	simm.s32 $0x1  }
0x8e: {  	[tilespmem:s30], [sflag:$0x1] =	stream.indirect.gather [spmem:s2], $0x1, s29, s7, $0xb8;
	[tilespmem:$0x2008] =	vst v63  }
0x8f: {  	_ =	swait.ge [sflag:s19], $0x80  }
0x90: {  	[sflag:s19] =	ssyncset.done $0x0  }
0x91: {  	[sflag:s19] =	ssyncadd.s32 $0xFFFFFF80  }
0x92: {  	_ =	swait.ge [sflag:s19], $0x80  }
0x93: {  	[sflag:s19] =	ssyncset.done $0x0  }
0x94: {  	[sflag:s19] =	ssyncadd.s32 $0xFFFFFF80  }
0x95: {  	_ =	swait.ge [sflag:s19], $0x80  }
0x96: {  	[sflag:s19] =	ssyncset.done $0x0  }
0x97: {  	[sflag:s19] =	ssyncadd.s32 $0xFFFFFF80  }
0x98: {  	_ =	swait.ge [sflag:s19], $0x80  }
0x99: {  	[sflag:s19] =	ssyncset.done $0x0  }
0x9a: {  	[sflag:s19] =	ssyncadd.s32 $0xFFFFFF80  }
0x9b: {  	_ =	swait.ge [sflag:s19], $0x80  }
0x9c: {  	[sflag:s19] =	ssyncset.done $0x0  }
0x9d: {  	[sflag:s19] =	ssyncadd.s32 $0xFFFFFF80  }
0x9e: {  	_ =	swait.ge [sflag:s19], $0x80  }
0x9f: {  	[sflag:s19] =	ssyncset.done $0x0  }
0xa0: {  	[sflag:s19] =	ssyncadd.s32 $0xFFFFFF80  }
0xa1: {  	_ =	swait.ge [sflag:s19], $0x80  }
0xa2: {  	[sflag:s19] =	ssyncset.done $0x0  }
0xa3: {  	[sflag:s19] =	ssyncadd.s32 $0xFFFFFF80  }
0xa4: {  	_ =	swait.ge [sflag:s19], $0x80  }
0xa5: {  	[sflag:s19] =	ssyncset.done $0x0  }
0xa6: {  	[sflag:s19] =	ssyncadd.s32 $0xFFFFFF80  }
0xa7: {  	_ =	swait.ge [sflag:s19], $0x80  }
0xa8: {  	[sflag:s19] =	ssyncset.done $0x0  }
0xa9: {  	[sflag:s19] =	ssyncadd.s32 $0xFFFFFF80  }
0xaa: {  	_ =	swait.ge [sflag:s19], $0x80  }
0xab: {  	[sflag:s19] =	ssyncset.done $0x0  }
0xac: {  	[sflag:s19] =	ssyncadd.s32 $0xFFFFFF80  }
0xad: {  	_ =	swait.ge [sflag:s19], $0x80  }
0xae: {  	[sflag:s19] =	ssyncset.done $0x0  }
0xaf: {  	[sflag:s19] =	ssyncadd.s32 $0xFFFFFF80  }
0xb0: {  	_ =	swait.ge [sflag:s19], $0x80  }
0xb1: {  	[sflag:s19] =	ssyncset.done $0x0  }
0xb2: {  	[sflag:s19] =	ssyncadd.s32 $0xFFFFFF80  }
0xb3: {  	_ =	swait.ge [sflag:s19], $0x80  }
0xb4: {  	[sflag:s19] =	ssyncset.done $0x0  }
0xb5: {  	[sflag:s19] =	ssyncadd.s32 $0xFFFFFF80  }
0xb6: {  	_ =	swait.ge [sflag:s19], $0x80  }
0xb7: {  	[sflag:s19] =	ssyncset.done $0x0  }
0xb8: {  	[sflag:s19] =	ssyncadd.s32 $0xFFFFFF80  }
0xb9: {  	_ =	swait.ge [sflag:s19], $0x80  }
0xba: {  	[sflag:s19] =	ssyncset.done $0x0  }
0xbb: {  	[sflag:s19] =	ssyncadd.s32 $0xFFFFFF80  }
0xbc: {  	_ =	swait.ge [sflag:s19], $0x80  }
0xbd: {  	[sflag:s19] =	ssyncset.done $0x0  }
0xbe: {  	[sflag:s19] =	ssyncadd.s32 $0xFFFFFF80  }
0xbf: {  	_ =	swait.ge [sflag:s19], $0x80  }
0xc0: {  	[sflag:s19] =	ssyncset.done $0x0  }
0xc1: {  	[sflag:s19] =	ssyncadd.s32 $0xFFFFFF80  }
0xc2: {  	_ =	swait.ge [sflag:s19], $0x80  }
0xc3: {  	[sflag:s19] =	ssyncset.done $0x0  }
0xc4: {  	[sflag:s19] =	ssyncadd.s32 $0xFFFFFF80  }
0xc5: {  	_ =	swait.ge [sflag:s19], $0x80  }
0xc6: {  	[sflag:s19] =	ssyncset.done $0x0  }
0xc7: {  	[sflag:s19] =	ssyncadd.s32 $0xFFFFFF80  }
0xc8: {  	_ =	swait.ge [sflag:s19], $0x80  }
0xc9: {  	[sflag:s19] =	ssyncset.done $0x0  }
0xca: {  	[sflag:s19] =	ssyncadd.s32 $0xFFFFFF80  }
0xcb: {  	_ =	swait.ge [sflag:s19], $0x80  }
0xcc: {  	[sflag:s19] =	ssyncset.done $0x0  }
0xcd: {  	[sflag:s19] =	ssyncadd.s32 $0xFFFFFF80  }
0xce: {  	_ =	swait.ge [sflag:s19], $0x80  }
0xcf: {  	[sflag:s19] =	ssyncset.done $0x0  }
0xd0: {  	[sflag:s19] =	ssyncadd.s32 $0xFFFFFF80  }
0xd1: {  	_ =	swait.ge [sflag:s19], $0x80  }
0xd2: {  	[sflag:s19] =	ssyncset.done $0x0  }
0xd3: {  	[sflag:s19] =	ssyncadd.s32 $0xFFFFFF80  }
0xd4: {  	_ =	swait.ge [sflag:s19], $0x80  }
0xd5: {  	s26 =	ssub.s32 $0x2, s31;
	[sflag:s19] =	ssyncset.done $0x0  }
0xd6: {  	s28 =	sshrl.u32 s26, $0x1;
	[sflag:s19] =	ssyncadd.s32 $0xFFFFFF80  }
0xd7: {  	s0 =	ssub.s32 s26, s28;
	_ =	swait.ge [sflag:s19], $0x80  }
0xd8: {  	s0 =	smax.u32 s0, $0x1;
	[sflag:s19] =	ssyncset.done $0x0  }
0xd9: {  	s31 =	sadd.s32 $0xFFFFFFFF, s0;
	[sflag:s19] =	ssyncadd.s32 $0xFFFFFF80  }
0xda: {  	p1 =	sne.s32 s31, $0x0;
	_ =	swait.ge [sflag:s19], $0x80  }
.Ltmp0:
0xdb: {  	[sflag:s19] =	ssyncset.done $0x0;
	(pc) =	sbr.rel @!p1 .LBB2_2-.Ltmp0, $4  }
0xdc: {  	[sflag:s19] =	ssyncadd.s32 $0xFFFFFF80  }
0xdd: {  	_ =	swait.ge [sflag:s19], $0x80  }
0xde: {  	[sflag:s19] =	ssyncset.done $0x0  }
0xdf: {  	[sflag:s19] =	ssyncadd.s32 $0xFFFFFF80  }
.LBB2_1:
0xe0: {  	_ =	swait.ge [sflag:s19], $0x80  }
0xe1: {  	[sflag:s19] =	ssyncset.done $0x0  }
0xe2: {  	[sflag:s19] =	ssyncadd.s32 $0xFFFFFF80  }
0xe3: {  	_ =	swait.ge [sflag:s19], $0x80  }
0xe4: {  	[sflag:s19] =	ssyncset.done $0x0  }
0xe5: {  	[sflag:s19] =	ssyncadd.s32 $0xFFFFFF80  }
0xe6: {  	_ =	swait.ge [sflag:s19], $0x80  }
0xe7: {  	[sflag:s19] =	ssyncset.done $0x0  }
0xe8: {  	[sflag:s19] =	ssyncadd.s32 $0xFFFFFF80  }
0xe9: {  	_ =	swait.ge [sflag:s19], $0x80  }
0xea: {  	[sflag:s19] =	ssyncset.done $0x0  }
0xeb: {  	[sflag:s19] =	ssyncadd.s32 $0xFFFFFF80  }
0xec: {  	_ =	swait.ge [sflag:s19], $0x80  }
0xed: {  	[sflag:s19] =	ssyncset.done $0x0  }
0xee: {  	s0 =	rddreg [dreg:$0x7];
	[sflag:s19] =	ssyncadd.s32 $0xFFFFFF80  }
0xef: {  	[hbm4b:s0+s1] =	stream.linear.scatter [tilespmem:s4], [sflag:$0x2], $0x1000, $0x38;
	[tilespmem:$0x2008] =	vst v63  }
0xf0: {  	_ =	swait.ge [sflag:s3], $0x1000  }
0xf1: {  	s0 =	rddreg [dreg:$0x5];
	[sflag:s3] =	ssyncset.done $0x0  }
0xf2: {  	s8 =	simm.s32 @!p0 $0x1C02;
	s5 =	rddreg [dreg:$0x8];
	[sflag:s3] =	ssyncadd.s32 $0xFFFFF000  }
0xf3: {  	[spmem:s5], [sflag:s8] =	dma.local @!p0 [hbm:s0], $0x10  }
0xf4: {  	_ =	swait.ge @!p0 [sflag:s6], $0x10  }
0xf5: {  	[sflag:s6] =	ssyncset.done @!p0 $0x0  }
0xf6: {  	[sflag:s6] =	ssyncadd.s32 @!p0 $0xFFFFFFF0  }
0xf7: {  	[bflag:$0x0] =	sbarrier.arrive $0xFFFF  }
0xf8: {  	s25 =	rddreg [dreg:$0x6]  }
0xf9: {  	[tilespmem:s1], [sflag:$0x2] =	stream.linear.gather [hbm4b:s25+s1], $0x1000, $0x38;
	[tilespmem:$0x2008] =	vst v63  }
0xfa: {  	_ =	swait.ge [sflag:s3], $0x1000  }
0xfb: {  	s13 =	rddreg [dreg:$0x13]  }
0xfc: {  	s0 =	sld [smem:$0x7ED]  }
0xfd: {  	s8 =	sld [smem:$0x7EE]  }
0xfe: {  	s5 =	sld [smem:$0x7EF]  }
0xff: {  	s15 =	rddreg [dreg:$0x14]  }
0x100: {  	s9 =	sld [smem:$0x7F0]  }
0x101: {  	s16 =	rddreg [dreg:$0x11]  }
0x102: {  	s10 =	sld [smem:$0x7F1]  }
0x103: {  	s17 =	rddreg [dreg:$0x10]  }
0x104: {  	s11 =	sld [smem:$0x7F2]  }
0x105: {  	s18 =	rddreg [dreg:$0x12]  }
0x106: {  	s12 =	sld [smem:$0x7F3]  }
0x107: {  	s20 =	rddreg [dreg:$0x15]  }
0x108: {  	s14 =	sld [smem:$0x7F4]  }
0x109: {  	s21 =	rddreg [dreg:$0x17]  }
0x10a: {  	s22 =	rddreg [dreg:$0xf]  }
0x10b: {  	s23 =	rddreg [dreg:$0x18]  }
0x10c: {  	s24 =	rddreg [dreg:$0xa]  }
0x10d: {  	[sflag:s3] =	ssyncset.done $0x0;
	s25 =	rddreg [dreg:$0x9]  }
0x10e: {  	s26 =	rddreg [dreg:$0xb];
	[sflag:s3] =	ssyncadd.s32 $0xFFFFF000  }
0x10f: {  	[tilespmem:s4], [sflag:$0x1] =	stream.indirect.gather [spmem:s2], $0x1, s1, s7, $0xb8;
	[tilespmem:$0x2008] =	vst v63  }
0x110: {  	s28 =	rddreg [dreg:$0xc]  }
0x111: {  	[tilespmem:s25], [sflag:$0x1] =	stream.indirect.gather [spmem:s2], $0x1, s7, s7, $0xb8;
	[tilespmem:$0x2008] =	vst v63  }
0x112: {  	s25 =	rddreg [dreg:$0xd]  }
0x113: {  	[tilespmem:s26], [sflag:$0x1] =	stream.indirect.gather [spmem:s2], $0x1, s24, s7, $0xb8;
	[tilespmem:$0x2008] =	vst v63  }
0x114: {  	s26 =	rddreg [dreg:$0xe]  }
0x115: {  	[tilespmem:s25], [sflag:$0x1] =	stream.indirect.gather [spmem:s2], $0x1, s28, s7, $0xb8;
	[tilespmem:$0x2008] =	vst v63  }
0x116: {  	s24 =	rddreg [dreg:$0x19]  }
0x117: {  	[tilespmem:s22], [sflag:$0x1] =	stream.indirect.gather [spmem:s2], $0x1, s26, s7, $0xb8;
	[tilespmem:$0x2008] =	vst v63  }
0x118: {  	s25 =	rddreg [dreg:$0x1f]  }
0x119: {  	[tilespmem:s16], [sflag:$0x1] =	stream.indirect.gather [spmem:s2], $0x1, s17, s7, $0xb8;
	[tilespmem:$0x2008] =	vst v63  }
0x11a: {  	s28 =	rddreg [dreg:$0x1c]  }
0x11b: {  	[tilespmem:s13], [sflag:$0x1] =	stream.indirect.gather [spmem:s2], $0x1, s18, s7, $0xb8;
	[tilespmem:$0x2008] =	vst v63  }
0x11c: {  	s22 =	rddreg [dreg:$0x1d]  }
0x11d: {  	[tilespmem:s20], [sflag:$0x1] =	stream.indirect.gather [spmem:s2], $0x1, s15, s7, $0xb8;
	[tilespmem:$0x2008] =	vst v63  }
0x11e: {  	s18 =	rddreg [dreg:$0x16]  }
0x11f: {  	[tilespmem:s21], [sflag:$0x1] =	stream.indirect.gather [spmem:s2], $0x1, s18, s7, $0xb8;
	[tilespmem:$0x2008] =	vst v63  }
0x120: {  	s26 =	rddreg [dreg:$0x1a]  }
0x121: {  	[tilespmem:s24], [sflag:$0x1] =	stream.indirect.gather [spmem:s2], $0x1, s23, s7, $0xb8;
	[tilespmem:$0x2008] =	vst v63  }
0x122: {  	s17 =	rddreg [dreg:$0x1b]  }
0x123: {  	[tilespmem:s17], [sflag:$0x1] =	stream.indirect.gather [spmem:s2], $0x1, s26, s7, $0xb8;
	[tilespmem:$0x2008] =	vst v63  }
0x124: {  	s18 =	sld [smem:$0x7F5]  }
0x125: {  	[tilespmem:s22], [sflag:$0x1] =	stream.indirect.gather [spmem:s2], $0x1, s28, s7, $0xb8;
	[tilespmem:$0x2008] =	vst v63  }
0x126: {  	s17 =	rddreg [dreg:$0x1e]  }
0x127: {  	[tilespmem:s25], [sflag:$0x1] =	stream.indirect.gather [spmem:s2], $0x1, s17, s7, $0xb8;
	[tilespmem:$0x2008] =	vst v63  }
0x128: {  	s20 =	sld [smem:$0x7F6]  }
0x129: {  	[tilespmem:s14], [sflag:$0x1] =	stream.indirect.gather [spmem:s2], $0x1, s18, s7, $0xb8;
	[tilespmem:$0x2008] =	vst v63  }
0x12a: {  	s21 =	sld [smem:$0x7F7]  }
0x12b: {  	[tilespmem:s12], [sflag:$0x1] =	stream.indirect.gather [spmem:s2], $0x1, s20, s7, $0xb8;
	[tilespmem:$0x2008] =	vst v63  }
0x12c: {  	s22 =	sld [smem:$0x7F8]  }
0x12d: {  	[tilespmem:s11], [sflag:$0x1] =	stream.indirect.gather [spmem:s2], $0x1, s21, s7, $0xb8;
	[tilespmem:$0x2008] =	vst v63  }
0x12e: {  	s23 =	sld [smem:$0x7F9]  }
0x12f: {  	[tilespmem:s10], [sflag:$0x1] =	stream.indirect.gather [spmem:s2], $0x1, s22, s7, $0xb8;
	[tilespmem:$0x2008] =	vst v63  }
0x130: {  	s24 =	sld [smem:$0x7FA]  }
0x131: {  	[tilespmem:s9], [sflag:$0x1] =	stream.indirect.gather [spmem:s2], $0x1, s23, s7, $0xb8;
	[tilespmem:$0x2008] =	vst v63  }
0x132: {  	s25 =	sld [smem:$0x7FB]  }
0x133: {  	[tilespmem:s8], [sflag:$0x1] =	stream.indirect.gather [spmem:s2], $0x1, s24, s7, $0xb8;
	[tilespmem:$0x2008] =	vst v63  }
0x134: {  	s26 =	sld [smem:$0x7FC]  }
0x135: {  	[tilespmem:s5], [sflag:$0x1] =	stream.indirect.gather [spmem:s2], $0x1, s25, s7, $0xb8;
	[tilespmem:$0x2008] =	vst v63  }
0x136: {  	s28 =	sld [smem:$0x7FD]  }
0x137: {  	[tilespmem:s0], [sflag:$0x1] =	stream.indirect.gather [spmem:s2], $0x1, s26, s7, $0xb8;
	[tilespmem:$0x2008] =	vst v63  }
0x138: {  	s8 =	simm.s32 $0x1A80  }
0x139: {  	[tilespmem:s8], [sflag:$0x1] =	stream.indirect.gather [spmem:s2], $0x1, s28, s7, $0xb8;
	[tilespmem:$0x2008] =	vst v63  }
0x13a: {  	s10 =	simm.s32 $0x1B00;
	s9 =	simm.s32 $0xB00  }
0x13b: {  	[tilespmem:s10], [sflag:$0x1] =	stream.indirect.gather [spmem:s2], $0x1, s9, s7, $0xb8;
	[tilespmem:$0x2008] =	vst v63  }
0x13c: {  	s12 =	simm.s32 $0x1B80;
	s11 =	simm.s32 $0xB80  }
0x13d: {  	[tilespmem:s12], [sflag:$0x1] =	stream.indirect.gather [spmem:s2], $0x1, s11, s7, $0xb8;
	[tilespmem:$0x2008] =	vst v63  }
0x13e: {  	s13 =	simm.s32 $0xC00;
	s14 =	simm.s32 $0x1C00  }
0x13f: {  	[tilespmem:s14], [sflag:$0x1] =	stream.indirect.gather [spmem:s2], $0x1, s13, s7, $0xb8;
	[tilespmem:$0x2008] =	vst v63  }
0x140: {  	s16 =	simm.s32 $0x1C80;
	s15 =	simm.s32 $0xC80  }
0x141: {  	[tilespmem:s16], [sflag:$0x1] =	stream.indirect.gather [spmem:s2], $0x1, s15, s7, $0xb8;
	[tilespmem:$0x2008] =	vst v63  }
0x142: {  	s17 =	simm.s32 $0xD00;
	s18 =	simm.s32 $0x1D00  }
0x143: {  	[tilespmem:s18], [sflag:$0x1] =	stream.indirect.gather [spmem:s2], $0x1, s17, s7, $0xb8;
	[tilespmem:$0x2008] =	vst v63  }
0x144: {  	s20 =	simm.s32 $0xD80;
	s21 =	simm.s32 $0x1D80  }
0x145: {  	[tilespmem:s21], [sflag:$0x1] =	stream.indirect.gather [spmem:s2], $0x1, s20, s7, $0xb8;
	[tilespmem:$0x2008] =	vst v63  }
0x146: {  	s22 =	simm.s32 $0xE00;
	s23 =	simm.s32 $0x1E00  }
0x147: {  	[tilespmem:s23], [sflag:$0x1] =	stream.indirect.gather [spmem:s2], $0x1, s22, s7, $0xb8;
	[tilespmem:$0x2008] =	vst v63  }
0x148: {  	s24 =	simm.s32 $0xE80;
	s25 =	simm.s32 $0x1E80  }
0x149: {  	[tilespmem:s25], [sflag:$0x1] =	stream.indirect.gather [spmem:s2], $0x1, s24, s7, $0xb8;
	[tilespmem:$0x2008] =	vst v63  }
0x14a: {  	s26 =	simm.s32 $0xF00;
	s28 =	simm.s32 $0x1F00  }
0x14b: {  	[tilespmem:s28], [sflag:$0x1] =	stream.indirect.gather [spmem:s2], $0x1, s26, s7, $0xb8;
	[tilespmem:$0x2008] =	vst v63  }
0x14c: {  	_ = 	snop  }
0x14d: {  	[tilespmem:s30], [sflag:$0x1] =	stream.indirect.gather [spmem:s2], $0x1, s29, s7, $0xb8;
	[tilespmem:$0x2008] =	vst v63  }
0x14e: {  	_ =	swait.ge [sflag:s19], $0x80  }
0x14f: {  	[sflag:s19] =	ssyncset.done $0x0  }
0x150: {  	[sflag:s19] =	ssyncadd.s32 $0xFFFFFF80  }
0x151: {  	_ =	swait.ge [sflag:s19], $0x80  }
0x152: {  	[sflag:s19] =	ssyncset.done $0x0  }
0x153: {  	[sflag:s19] =	ssyncadd.s32 $0xFFFFFF80  }
0x154: {  	_ =	swait.ge [sflag:s19], $0x80  }
0x155: {  	[sflag:s19] =	ssyncset.done $0x0  }
0x156: {  	[sflag:s19] =	ssyncadd.s32 $0xFFFFFF80  }
0x157: {  	_ =	swait.ge [sflag:s19], $0x80  }
0x158: {  	[sflag:s19] =	ssyncset.done $0x0  }
0x159: {  	[sflag:s19] =	ssyncadd.s32 $0xFFFFFF80  }
0x15a: {  	_ =	swait.ge [sflag:s19], $0x80  }
0x15b: {  	[sflag:s19] =	ssyncset.done $0x0  }
0x15c: {  	[sflag:s19] =	ssyncadd.s32 $0xFFFFFF80  }
0x15d: {  	_ =	swait.ge [sflag:s19], $0x80  }
0x15e: {  	[sflag:s19] =	ssyncset.done $0x0  }
0x15f: {  	[sflag:s19] =	ssyncadd.s32 $0xFFFFFF80  }
0x160: {  	_ =	swait.ge [sflag:s19], $0x80  }
0x161: {  	[sflag:s19] =	ssyncset.done $0x0  }
0x162: {  	[sflag:s19] =	ssyncadd.s32 $0xFFFFFF80  }
0x163: {  	_ =	swait.ge [sflag:s19], $0x80  }
0x164: {  	[sflag:s19] =	ssyncset.done $0x0  }
0x165: {  	[sflag:s19] =	ssyncadd.s32 $0xFFFFFF80  }
0x166: {  	_ =	swait.ge [sflag:s19], $0x80  }
0x167: {  	[sflag:s19] =	ssyncset.done $0x0  }
0x168: {  	[sflag:s19] =	ssyncadd.s32 $0xFFFFFF80  }
0x169: {  	_ =	swait.ge [sflag:s19], $0x80  }
0x16a: {  	[sflag:s19] =	ssyncset.done $0x0  }
0x16b: {  	[sflag:s19] =	ssyncadd.s32 $0xFFFFFF80  }
0x16c: {  	_ =	swait.ge [sflag:s19], $0x80  }
0x16d: {  	[sflag:s19] =	ssyncset.done $0x0  }
0x16e: {  	[sflag:s19] =	ssyncadd.s32 $0xFFFFFF80  }
0x16f: {  	_ =	swait.ge [sflag:s19], $0x80  }
0x170: {  	[sflag:s19] =	ssyncset.done $0x0  }
0x171: {  	[sflag:s19] =	ssyncadd.s32 $0xFFFFFF80  }
0x172: {  	_ =	swait.ge [sflag:s19], $0x80  }
0x173: {  	[sflag:s19] =	ssyncset.done $0x0  }
0x174: {  	[sflag:s19] =	ssyncadd.s32 $0xFFFFFF80  }
0x175: {  	_ =	swait.ge [sflag:s19], $0x80  }
0x176: {  	[sflag:s19] =	ssyncset.done $0x0  }
0x177: {  	[sflag:s19] =	ssyncadd.s32 $0xFFFFFF80  }
0x178: {  	_ =	swait.ge [sflag:s19], $0x80  }
0x179: {  	[sflag:s19] =	ssyncset.done $0x0  }
0x17a: {  	[sflag:s19] =	ssyncadd.s32 $0xFFFFFF80  }
0x17b: {  	_ =	swait.ge [sflag:s19], $0x80  }
0x17c: {  	[sflag:s19] =	ssyncset.done $0x0  }
0x17d: {  	[sflag:s19] =	ssyncadd.s32 $0xFFFFFF80  }
0x17e: {  	_ =	swait.ge [sflag:s19], $0x80  }
0x17f: {  	[sflag:s19] =	ssyncset.done $0x0  }
0x180: {  	[sflag:s19] =	ssyncadd.s32 $0xFFFFFF80  }
0x181: {  	_ =	swait.ge [sflag:s19], $0x80  }
0x182: {  	[sflag:s19] =	ssyncset.done $0x0  }
0x183: {  	[sflag:s19] =	ssyncadd.s32 $0xFFFFFF80  }
0x184: {  	_ =	swait.ge [sflag:s19], $0x80  }
0x185: {  	[sflag:s19] =	ssyncset.done $0x0  }
0x186: {  	[sflag:s19] =	ssyncadd.s32 $0xFFFFFF80  }
0x187: {  	_ =	swait.ge [sflag:s19], $0x80  }
0x188: {  	[sflag:s19] =	ssyncset.done $0x0  }
0x189: {  	[sflag:s19] =	ssyncadd.s32 $0xFFFFFF80  }
0x18a: {  	_ =	swait.ge [sflag:s19], $0x80  }
0x18b: {  	[sflag:s19] =	ssyncset.done $0x0  }
0x18c: {  	[sflag:s19] =	ssyncadd.s32 $0xFFFFFF80  }
0x18d: {  	_ =	swait.ge [sflag:s19], $0x80  }
0x18e: {  	[sflag:s19] =	ssyncset.done $0x0  }
0x18f: {  	[sflag:s19] =	ssyncadd.s32 $0xFFFFFF80  }
0x190: {  	_ =	swait.ge [sflag:s19], $0x80  }
0x191: {  	[sflag:s19] =	ssyncset.done $0x0  }
0x192: {  	[sflag:s19] =	ssyncadd.s32 $0xFFFFFF80  }
0x193: {  	_ =	swait.ge [sflag:s19], $0x80  }
0x194: {  	[sflag:s19] =	ssyncset.done $0x0  }
0x195: {  	[sflag:s19] =	ssyncadd.s32 $0xFFFFFF80  }
0x196: {  	_ =	swait.ge [sflag:s19], $0x80  }
0x197: {  	[sflag:s19] =	ssyncset.done $0x0  }
0x198: {  	s31 =	sadd.s32 $0xFFFFFFFF, s31;
	[sflag:s19] =	ssyncadd.s32 $0xFFFFFF80  }
0x199: {  	p1 =	sne.s32 s31, $0x0;
	_ =	swait.ge [sflag:s19], $0x80  }
.Ltmp1:
0x19a: {  	[sflag:s19] =	ssyncset.done $0x0;
	(pc) =	sbr.rel @p1 .LBB2_1-.Ltmp1, $4  }
0x19b: {  	[sflag:s19] =	ssyncadd.s32 $0xFFFFFF80  }
0x19c: {  	_ =	swait.ge [sflag:s19], $0x80  }
0x19d: {  	[sflag:s19] =	ssyncset.done $0x0  }
0x19e: {  	[sflag:s19] =	ssyncadd.s32 $0xFFFFFF80  }
.LBB2_2:
0x19f: {  	_ =	swait.ge [sflag:s19], $0x80  }
0x1a0: {  	[sflag:s19] =	ssyncset.done $0x0  }
0x1a1: {  	[sflag:s19] =	ssyncadd.s32 $0xFFFFFF80  }
0x1a2: {  	_ =	swait.ge [sflag:s19], $0x80  }
0x1a3: {  	[sflag:s19] =	ssyncset.done $0x0  }
0x1a4: {  	[sflag:s19] =	ssyncadd.s32 $0xFFFFFF80  }
0x1a5: {  	_ =	swait.ge [sflag:s19], $0x80  }
0x1a6: {  	[sflag:s19] =	ssyncset.done $0x0  }
0x1a7: {  	[sflag:s19] =	ssyncadd.s32 $0xFFFFFF80  }
0x1a8: {  	_ =	swait.ge [sflag:s19], $0x80  }
0x1a9: {  	[sflag:s19] =	ssyncset.done $0x0  }
0x1aa: {  	[sflag:s19] =	ssyncadd.s32 $0xFFFFFF80  }
0x1ab: {  	_ =	swait.ge [sflag:s19], $0x80  }
0x1ac: {  	[sflag:s19] =	ssyncset.done $0x0  }
0x1ad: {  	s0 =	rddreg [dreg:$0x7];
	[sflag:s19] =	ssyncadd.s32 $0xFFFFFF80  }
0x1ae: {  	[hbm4b:s0+s1] =	stream.linear.scatter [tilespmem:s4], [sflag:$0x2], $0x1000, $0x38;
	[tilespmem:$0x2008] =	vst v63  }
0x1af: {  	_ =	swait.ge [sflag:s3], $0x1000  }
0x1b0: {  	[sflag:s3] =	ssyncset.done $0x0  }
0x1b1: {  	[sflag:s3] =	ssyncadd.s32 $0xFFFFF000  }
0x1b2: {  	_ =	sfence.sel $0x180000  }
0x1b3: {  	[bflag:$0x0] =	sbarrier.arrive $0xFFFF  }
0x1b4: {  	_ =	strace $0x90000047  }
0x1b5: {  	[bflag:$0x2] =	sbarrier.arrive $0xFFFF  }
0x1b6: {  	s0 =	rddreg [dreg:$0x4]  }
0x1b7: {  	s0 =	sadd.s32 @!p0 $0x100000, s0  }
0x1b8: {  	[sflag:s0] =	ssyncadd.tile.s32 @!p0 $0x1;
	_ =	shalt  }
.Lfunc_end2:
_tile_overlayer_lowered:
.L_overlay_start_2:
0x1b9: {  	(tag) =	ssettag $0x2  }
0x1ba: {  	s0 =	rddreg [dreg:$0x0];
	s2 =	stileid.u32  }
0x1bb: {  	s1 =	rddreg [dreg:$0x1];
	p0 =	sne.s32 s2, $0x0  }
0x1bc: {  	s3 =	rddreg [dreg:$0x2];
	[bflag:$0x3] =	sbarrier.arrive $0xFFFF;
	s2 =	simm.s32 @!p0 $0x1C02  }
0x1bd: {  	[timem:s3], [sflag:s2] =	dma.local @!p0 [hbm:s0], s1  }
0x1be: {  	s0 =	simm.s32 @!p0 $0x2  }
0x1bf: {  	_ =	swait.ge @!p0 [sflag:s0], s1  }
0x1c0: {  	s1 =	ssub.s32 @!p0 $0x0, s1;
	[sflag:s0] =	ssyncset.done @!p0 $0x0  }
0x1c1: {  	[sflag:s0] =	ssyncadd.s32 @!p0 s1  }
0x1c2: {  	[bflag:$0x3] =	sbarrier.arrive $0xFFFF  }
0x1c3: {  	_ =	shalt  }

</sc_bundles>
